<compile_context>
chip_gen: v7x
topology: tpu7x:2x2x1
jax: 0.10.2.dev20260603
libtpu: 0.0.44.dev20260713+nightly
codegen_flags: <defaults>
</compile_context>

<pallas_src>
import jax
import jax.numpy as jnp
from jax import lax
from jax.experimental import pallas as pl
from jax.experimental.pallas import tpu as pltpu
from jax.experimental.pallas import tpu_sc as plsc

DIM = 32
B1, B2 = 16384, 50
BATCH = B1 * B2
VOCAB = 1_000_000
NC, NS = 2, 16
NW = NC * NS
CH = 128
UNITS = BATCH // CH
UNITS_W = UNITS // NW
NH = UNITS_W // 2
LG = B1 // CH
SG, SD = 4, 8


def _embed_body(idx_hbm, table_hbm, out_hbm, idx_v, g0, g1, t0, t1,
                gs0, gs1, ss0, ss1):
    wid = lax.axis_index("s") * NC + lax.axis_index("c")
    base = wid * UNITS_W
    pltpu.sync_copy(idx_hbm.at[pl.ds(base, UNITS_W)], idx_v)

    gsems, ssems = (gs0, gs1), (ss0, ss1)
    gbufs, tbufs = (g0, g1), (t0, t1)

    def fire(j, p):
        pltpu.async_copy(table_hbm.at[idx_v.at[j]], gbufs[p], gsems[p])

    def gwait(j, p):
        pltpu.make_async_copy(table_hbm.at[idx_v.at[j]], gbufs[p],
                              gsems[p]).wait()

    dvec = [lax.iota(jnp.int32, 16) + 16 * kt for kt in range(2)]
    svec = [d // SD for d in dvec]
    ddvec = [d % SD for d in dvec]

    def transpose(p):
        gb, tb = gbufs[p], tbufs[p]

        def lane_body(l8, c):
            l0 = l8 * 8
            for dl in range(8):
                lane = l0 + dl
                lv = jnp.full((16,), lane, jnp.int32)
                for kt in range(2):
                    plsc.store_scatter(tb, [svec[kt], ddvec[kt], lv],
                                       gb[lane, pl.ds(16 * kt, 16)])
            return c

        lax.fori_loop(0, CH // 8, lane_body, 0)

    def dst(j):
        u = base + j
        return out_hbm.at[u // LG, :, u % LG]

    def sstart(j, p):
        pltpu.async_copy(tbufs[p].at[:, :, pl.ds(0, CH)], dst(j), ssems[p])

    def swait(j, p):
        pltpu.make_async_copy(tbufs[p].at[:, :, pl.ds(0, CH)], dst(j),
                              ssems[p]).wait()

    fire(0, 0)
    fire(1, 1)

    def step(h, c):
        a = 2 * h
        gwait(a, 0)

        @pl.when(h > 0)
        def _():
            swait(a - 2, 0)

        transpose(0)
        sstart(a, 0)

        @pl.when(h < NH - 1)
        def _():
            fire(a + 2, 0)

        gwait(a + 1, 1)

        @pl.when(h > 0)
        def _():
            swait(a - 1, 1)

        transpose(1)
        sstart(a + 1, 1)

        @pl.when(h < NH - 1)
        def _():
            fire(a + 3, 1)

        return c

    lax.fori_loop(0, NH, step, 0)
    swait(UNITS_W - 2, 0)
    swait(UNITS_W - 1, 1)


@jax.jit
def _run(idx2d, wrm):
    mesh = plsc.VectorSubcoreMesh(core_axis_name="c", subcore_axis_name="s")
    return pl.kernel(
        _embed_body,
        out_type=jax.ShapeDtypeStruct((B2, SG, LG, SD, CH), jnp.float32),
        mesh=mesh,
        scratch_types=[
            pltpu.VMEM((UNITS_W, CH), jnp.int32),
            pltpu.VMEM((CH, DIM), jnp.float32),
            pltpu.VMEM((CH, DIM), jnp.float32),
            pltpu.VMEM((SG, SD, CH + 9), jnp.float32),
            pltpu.VMEM((SG, SD, CH + 9), jnp.float32),
            pltpu.SemaphoreType.DMA,
            pltpu.SemaphoreType.DMA,
            pltpu.SemaphoreType.DMA,
            pltpu.SemaphoreType.DMA,
        ],
        compiler_params=pltpu.CompilerParams(
            use_tc_tiling_on_sc=False, needs_layout_passes=False),
    )(idx2d, wrm)


def kernel(token_ids, W):
    idx2d = token_ids.astype(jnp.int32).T.reshape(UNITS, CH)
    out5d = _run(idx2d, W)
    return out5d.transpose((2, 4, 0, 1, 3)).reshape(B1, B2, DIM)

# --- scband reference (transcript-rebuilt; emitter-appended) ---
"""Pipeline reference for scband-embedding-30803505447343 (READ-ONLY COPY).

The authoritative reference and input builder live on the scoring server;
editing this copy changes nothing except your own understanding.
"""

import jax, jax.numpy as jnp
import numpy as np

VOCAB_SIZE = 1000000
EMBEDDING_DIM = 32

def setup_inputs(seed: int = 0) -> dict:
    key = jax.random.key(seed)
    k_idx, k_w = jax.random.split(key)
    token_ids = jax.random.randint(k_idx, (16384, 50), 0, VOCAB_SIZE, dtype=jnp.int64 if jax.config.jax_enable_x64 else jnp.int32)
    # trunc_normal(mean=0, std=1, a=-3, b=3) approximated by clipped normal
    W = jnp.clip(jax.random.normal(k_w, (VOCAB_SIZE, EMBEDDING_DIM), dtype=jnp.float32), -3.0, 3.0)
    return {"token_ids": token_ids, "W": W}

def reference(token_ids, W):
    # Faithful translation of: return self.W[token_ids]
    return jnp.take(W, token_ids, axis=0)

if __name__ == "__main__":
    import jax
    _d = setup_inputs()
    print(jax.jit(kernel)(*tuple(_d.values())))

</pallas_src>

<mosaic_0001>
#map = affine_map<(d0, d1) -> (0, 0)>
#map1 = affine_map<(d0, d1) -> (0, 0, 0, 0, 0)>
module attributes {stable_mosaic.version = 14 : i64} {
  func.func @_embed_body(%arg0: i32, %arg1: i32, %arg2: memref<6400x128xi32, #tpu.memory_space<hbm>>, %arg3: memref<1000000x32xf32, #tpu.memory_space<hbm>>, %arg4: memref<50x4x128x8x128xf32, #tpu.memory_space<hbm>>, %arg5: memref<200x128xi32, #tpu.memory_space<vmem>>, %arg6: memref<128x32xf32, #tpu.memory_space<vmem>>, %arg7: memref<128x32xf32, #tpu.memory_space<vmem>>, %arg8: memref<4x8x137xf32, #tpu.memory_space<vmem>>, %arg9: memref<4x8x137xf32, #tpu.memory_space<vmem>>, %arg10: memref<!tpu.dma_semaphore, #tpu.memory_space<semaphore_mem>>, %arg11: memref<!tpu.dma_semaphore, #tpu.memory_space<semaphore_mem>>, %arg12: memref<!tpu.dma_semaphore, #tpu.memory_space<semaphore_mem>>, %arg13: memref<!tpu.dma_semaphore, #tpu.memory_space<semaphore_mem>>) attributes {dimension_semantics = [#tpu.dimension_semantics<core_parallel>, #tpu.dimension_semantics<subcore_parallel>], iteration_bounds = array<i64: 2, 16>, scalar_prefetch = 0 : i64, scratch_operands = 9 : i64, tpu.core_type = #tpu.core_type<sc_vector_subcore>, window_params = [{transform_indices = #map}, {transform_indices = #map}, {transform_indices = #map1}]} {
    %mul3A = arith.constant 2 : i32
    %mul3A_0 = arith.muli %arg1, %mul3A : i32
    %add3A = arith.addi %mul3A_0, %arg0 : i32
    %mul3A_1 = arith.constant 200 : i32
    %mul3A_2 = arith.muli %add3A, %mul3A_1 : i32
    "tpu.region"() ({
      %run_scoped3A = tpu.sem_alloc : memref<!tpu.dma_semaphore, #tpu.memory_space<semaphore_mem>>
      %dma_start3A_243 = arith.constant 0 : i32
      %dma_start3A_244 = tpu.memref_slice %arg2[%mul3A_2, %dma_start3A_243] : memref<6400x128xi32, #tpu.memory_space<hbm>> -> memref<200x128xi32, #tpu.memory_space<hbm>>
      %dma_start3A_245 = arith.constant 0 : i32
      %dma_start3A_246 = tpu.memref_slice %arg2[%mul3A_2, %dma_start3A_245] : memref<6400x128xi32, #tpu.memory_space<hbm>> -> memref<200x128xi32, #tpu.memory_space<hbm>>
      tpu.enqueue_dma source(%dma_start3A_246 : memref<200x128xi32, #tpu.memory_space<hbm>>) target(%arg5 : memref<200x128xi32, #tpu.memory_space<vmem>>) target_semaphore(%run_scoped3A : memref<!tpu.dma_semaphore, #tpu.memory_space<semaphore_mem>>)
      %dma_wait3A_247 = arith.constant 0 : i32
      %dma_wait3A_248 = tpu.memref_slice %arg2[%mul3A_2, %dma_wait3A_247] : memref<6400x128xi32, #tpu.memory_space<hbm>> -> memref<200x128xi32, #tpu.memory_space<hbm>>
      %dma_wait3A_249 = arith.constant 0 : i32
      %dma_wait3A_250 = tpu.memref_slice %arg2[%mul3A_2, %dma_wait3A_249] : memref<6400x128xi32, #tpu.memory_space<hbm>> -> memref<200x128xi32, #tpu.memory_space<hbm>>
      tpu.wait_dma2 semaphore(%run_scoped3A : memref<!tpu.dma_semaphore, #tpu.memory_space<semaphore_mem>>) src(%dma_wait3A_250 : memref<200x128xi32, #tpu.memory_space<hbm>>) dst(%arg5 : memref<200x128xi32, #tpu.memory_space<vmem>>)
      tpu.yield
    }) : () -> ()
    %iota3A = tpu.iota {dimensions = array<i32: 0>} : vector<16xi32>
    %add3A_3 = arith.constant 0 : i32
    %add3A_4 = vector.broadcast %add3A_3 : i32 to vector<16xi32>
    %add3A_5 = arith.addi %iota3A, %add3A_4 : vector<16xi32>
    %iota3A_6 = tpu.iota {dimensions = array<i32: 0>} : vector<16xi32>
    %add3A_7 = arith.constant 16 : i32
    %add3A_8 = vector.broadcast %add3A_7 : i32 to vector<16xi32>
    %add3A_9 = arith.addi %iota3A_6, %add3A_8 : vector<16xi32>
    %jit3A = arith.constant 8 : i32
    %div3A = vector.broadcast %jit3A : i32 to vector<16xi32>
    %div3A_10 = arith.divsi %add3A_5, %div3A : vector<16xi32>
    %sign3A = arith.constant 0 : i32
    %sign3A_11 = vector.broadcast %sign3A : i32 to vector<16xi32>
    %sign3A_12 = arith.cmpi sgt, %add3A_5, %sign3A_11 : vector<16xi32>
    %sign3A_13 = arith.extui %sign3A_12 : vector<16xi1> to vector<16xi32>
    %sign3A_14 = arith.constant 0 : i32
    %sign3A_15 = vector.broadcast %sign3A_14 : i32 to vector<16xi32>
    %sign3A_16 = arith.cmpi slt, %add3A_5, %sign3A_15 : vector<16xi32>
    %sign3A_17 = arith.extui %sign3A_16 : vector<16xi1> to vector<16xi32>
    %sign3A_18 = arith.subi %sign3A_13, %sign3A_17 : vector<16xi32>
    %sign3A_19 = arith.constant 0 : i32
    %sign3A_20 = arith.cmpi sgt, %jit3A, %sign3A_19 : i32
    %sign3A_21 = arith.extui %sign3A_20 : i1 to i32
    %sign3A_22 = arith.constant 0 : i32
    %sign3A_23 = arith.cmpi slt, %jit3A, %sign3A_22 : i32
    %sign3A_24 = arith.extui %sign3A_23 : i1 to i32
    %sign3A_25 = arith.subi %sign3A_21, %sign3A_24 : i32
    %ne3A = vector.broadcast %sign3A_25 : i32 to vector<16xi32>
    %ne3A_26 = arith.cmpi ne, %sign3A_18, %ne3A : vector<16xi32>
    %rem3A = vector.broadcast %jit3A : i32 to vector<16xi32>
    %rem3A_27 = arith.remsi %add3A_5, %rem3A : vector<16xi32>
    %ne3A_28 = arith.constant 0 : i32
    %ne3A_29 = vector.broadcast %ne3A_28 : i32 to vector<16xi32>
    %ne3A_30 = arith.cmpi ne, %rem3A_27, %ne3A_29 : vector<16xi32>
    %and3A = arith.andi %ne3A_26, %ne3A_30 : vector<16xi1>
    %sub3A = arith.constant 1 : i32
    %sub3A_31 = vector.broadcast %sub3A : i32 to vector<16xi32>
    %sub3A_32 = arith.subi %div3A_10, %sub3A_31 : vector<16xi32>
    %select_n3A = arith.select %and3A, %sub3A_32, %div3A_10 : vector<16xi1>, vector<16xi32>
    %jit3A_33 = arith.constant 8 : i32
    %div3A_34 = vector.broadcast %jit3A_33 : i32 to vector<16xi32>
    %div3A_35 = arith.divsi %add3A_9, %div3A_34 : vector<16xi32>
    %sign3A_36 = arith.constant 0 : i32
    %sign3A_37 = vector.broadcast %sign3A_36 : i32 to vector<16xi32>
    %sign3A_38 = arith.cmpi sgt, %add3A_9, %sign3A_37 : vector<16xi32>
    %sign3A_39 = arith.extui %sign3A_38 : vector<16xi1> to vector<16xi32>
    %sign3A_40 = arith.constant 0 : i32
    %sign3A_41 = vector.broadcast %sign3A_40 : i32 to vector<16xi32>
    %sign3A_42 = arith.cmpi slt, %add3A_9, %sign3A_41 : vector<16xi32>
    %sign3A_43 = arith.extui %sign3A_42 : vector<16xi1> to vector<16xi32>
    %sign3A_44 = arith.subi %sign3A_39, %sign3A_43 : vector<16xi32>
    %sign3A_45 = arith.constant 0 : i32
    %sign3A_46 = arith.cmpi sgt, %jit3A_33, %sign3A_45 : i32
    %sign3A_47 = arith.extui %sign3A_46 : i1 to i32
    %sign3A_48 = arith.constant 0 : i32
    %sign3A_49 = arith.cmpi slt, %jit3A_33, %sign3A_48 : i32
    %sign3A_50 = arith.extui %sign3A_49 : i1 to i32
    %sign3A_51 = arith.subi %sign3A_47, %sign3A_50 : i32
    %ne3A_52 = vector.broadcast %sign3A_51 : i32 to vector<16xi32>
    %ne3A_53 = arith.cmpi ne, %sign3A_44, %ne3A_52 : vector<16xi32>
    %rem3A_54 = vector.broadcast %jit3A_33 : i32 to vector<16xi32>
    %rem3A_55 = arith.remsi %add3A_9, %rem3A_54 : vector<16xi32>
    %ne3A_56 = arith.constant 0 : i32
    %ne3A_57 = vector.broadcast %ne3A_56 : i32 to vector<16xi32>
    %ne3A_58 = arith.cmpi ne, %rem3A_55, %ne3A_57 : vector<16xi32>
    %and3A_59 = arith.andi %ne3A_53, %ne3A_58 : vector<16xi1>
    %sub3A_60 = arith.constant 1 : i32
    %sub3A_61 = vector.broadcast %sub3A_60 : i32 to vector<16xi32>
    %sub3A_62 = arith.subi %div3A_35, %sub3A_61 : vector<16xi32>
    %select_n3A_63 = arith.select %and3A_59, %sub3A_62, %div3A_35 : vector<16xi1>, vector<16xi32>
    %jit3A_64 = arith.constant 8 : i32
    %eq3A = arith.constant 0 : i32
    %eq3A_65 = arith.cmpi eq, %jit3A_64, %eq3A : i32
    %jit3A_66 = arith.constant 1 : i32
    %select_n3A_67 = arith.select %eq3A_65, %jit3A_66, %jit3A_64 : i32
    %rem3A_68 = vector.broadcast %select_n3A_67 : i32 to vector<16xi32>
    %rem3A_69 = arith.remsi %add3A_5, %rem3A_68 : vector<16xi32>
    %ne3A_70 = arith.constant 0 : i32
    %ne3A_71 = vector.broadcast %ne3A_70 : i32 to vector<16xi32>
    %ne3A_72 = arith.cmpi ne, %rem3A_69, %ne3A_71 : vector<16xi32>
    %lt3A = arith.constant 0 : i32
    %lt3A_73 = vector.broadcast %lt3A : i32 to vector<16xi32>
    %lt3A_74 = arith.cmpi slt, %rem3A_69, %lt3A_73 : vector<16xi32>
    %lt3A_75 = arith.constant 0 : i32
    %lt3A_76 = arith.cmpi slt, %select_n3A_67, %lt3A_75 : i32
    %ne3A_77 = vector.broadcast %lt3A_76 : i1 to vector<16xi1>
    %ne3A_78 = vector.broadcast %ne3A_77 : vector<16xi1> to vector<16xi1>
    %ne3A_79 = arith.xori %lt3A_74, %ne3A_78 : vector<16xi1>
    %and3A_80 = arith.andi %ne3A_79, %ne3A_72 : vector<16xi1>
    %add3A_81 = vector.broadcast %select_n3A_67 : i32 to vector<16xi32>
    %add3A_82 = arith.addi %rem3A_69, %add3A_81 : vector<16xi32>
    %select_n3A_83 = arith.select %and3A_80, %add3A_82, %rem3A_69 : vector<16xi1>, vector<16xi32>
    %jit3A_84 = arith.constant 8 : i32
    %eq3A_85 = arith.constant 0 : i32
    %eq3A_86 = arith.cmpi eq, %jit3A_84, %eq3A_85 : i32
    %jit3A_87 = arith.constant 1 : i32
    %select_n3A_88 = arith.select %eq3A_86, %jit3A_87, %jit3A_84 : i32
    %rem3A_89 = vector.broadcast %select_n3A_88 : i32 to vector<16xi32>
    %rem3A_90 = arith.remsi %add3A_9, %rem3A_89 : vector<16xi32>
    %ne3A_91 = arith.constant 0 : i32
    %ne3A_92 = vector.broadcast %ne3A_91 : i32 to vector<16xi32>
    %ne3A_93 = arith.cmpi ne, %rem3A_90, %ne3A_92 : vector<16xi32>
    %lt3A_94 = arith.constant 0 : i32
    %lt3A_95 = vector.broadcast %lt3A_94 : i32 to vector<16xi32>
    %lt3A_96 = arith.cmpi slt, %rem3A_90, %lt3A_95 : vector<16xi32>
    %lt3A_97 = arith.constant 0 : i32
    %lt3A_98 = arith.cmpi slt, %select_n3A_88, %lt3A_97 : i32
    %ne3A_99 = vector.broadcast %lt3A_98 : i1 to vector<16xi1>
    %ne3A_100 = vector.broadcast %ne3A_99 : vector<16xi1> to vector<16xi1>
    %ne3A_101 = arith.xori %lt3A_96, %ne3A_100 : vector<16xi1>
    %and3A_102 = arith.andi %ne3A_101, %ne3A_93 : vector<16xi1>
    %add3A_103 = vector.broadcast %select_n3A_88 : i32 to vector<16xi32>
    %add3A_104 = arith.addi %rem3A_90, %add3A_103 : vector<16xi32>
    %select_n3A_105 = arith.select %and3A_102, %add3A_104, %rem3A_90 : vector<16xi1>, vector<16xi32>
    %dma_start3A = arith.constant 0 : i32
    %dma_start3A_106 = arith.constant 0 : i32
    %dma_start3A_107 = tpu.memref_slice %arg5[%dma_start3A, %dma_start3A_106] : memref<200x128xi32, #tpu.memory_space<vmem>> -> memref<1x128xi32, #tpu.memory_space<vmem>>
    %dma_start3A_108 = tpu.memref_squeeze %dma_start3A_107 : memref<1x128xi32, #tpu.memory_space<vmem>> -> memref<128xi32, #tpu.memory_space<vmem>>
    %dma_start3A_109 = arith.constant 0 : i32
    %dma_start3A_110 = arith.constant 0 : i32
    %dma_start3A_111 = tpu.memref_slice %arg3[%dma_start3A_109, %dma_start3A_110] : memref<1000000x32xf32, #tpu.memory_space<hbm>> -> memref<1000000x32xf32, #tpu.memory_space<hbm>>
    tpu.enqueue_indirect_dma source(%dma_start3A_111 : memref<1000000x32xf32, #tpu.memory_space<hbm>>) target(%arg6 : memref<128x32xf32, #tpu.memory_space<vmem>>) offsets(%dma_start3A_108 : memref<128xi32, #tpu.memory_space<vmem>>) semaphore(%arg10 : memref<!tpu.dma_semaphore, #tpu.memory_space<semaphore_mem>>)
    %dma_start3A_112 = arith.constant 1 : i32
    %dma_start3A_113 = arith.constant 0 : i32
    %dma_start3A_114 = tpu.memref_slice %arg5[%dma_start3A_112, %dma_start3A_113] : memref<200x128xi32, #tpu.memory_space<vmem>> -> memref<1x128xi32, #tpu.memory_space<vmem>>
    %dma_start3A_115 = tpu.memref_squeeze %dma_start3A_114 : memref<1x128xi32, #tpu.memory_space<vmem>> -> memref<128xi32, #tpu.memory_space<vmem>>
    %dma_start3A_116 = arith.constant 0 : i32
    %dma_start3A_117 = arith.constant 0 : i32
    %dma_start3A_118 = tpu.memref_slice %arg3[%dma_start3A_116, %dma_start3A_117] : memref<1000000x32xf32, #tpu.memory_space<hbm>> -> memref<1000000x32xf32, #tpu.memory_space<hbm>>
    tpu.enqueue_indirect_dma source(%dma_start3A_118 : memref<1000000x32xf32, #tpu.memory_space<hbm>>) target(%arg7 : memref<128x32xf32, #tpu.memory_space<vmem>>) offsets(%dma_start3A_115 : memref<128xi32, #tpu.memory_space<vmem>>) semaphore(%arg11 : memref<!tpu.dma_semaphore, #tpu.memory_space<semaphore_mem>>)
    %scan3A = arith.constant 0 : i32
    %scan3A_119 = arith.constant 0 : i32
    %scan3A_120 = arith.constant 100 : i32
    %scan3A_121 = arith.addi %scan3A_119, %scan3A_120 : i32
    %scan3A_122 = arith.constant 1 : i32
    scf.for %scan3A_243 = %scan3A_119 to %scan3A_121 step %scan3A_122  : i32 {
      %mul3A_244 = arith.constant 2 : i32
      %mul3A_245 = arith.muli %mul3A_244, %scan3A_243 : i32
      %dma_wait3A_246 = arith.constant 0 : i32
      %dma_wait3A_247 = tpu.memref_slice %arg5[%mul3A_245, %dma_wait3A_246] : memref<200x128xi32, #tpu.memory_space<vmem>> -> memref<1x128xi32, #tpu.memory_space<vmem>>
      %dma_wait3A_248 = tpu.memref_squeeze %dma_wait3A_247 : memref<1x128xi32, #tpu.memory_space<vmem>> -> memref<128xi32, #tpu.memory_space<vmem>>
      %dma_wait3A_249 = arith.constant 0 : i32
      %dma_wait3A_250 = arith.constant 0 : i32
      %dma_wait3A_251 = tpu.memref_slice %arg3[%dma_wait3A_249, %dma_wait3A_250] : memref<1000000x32xf32, #tpu.memory_space<hbm>> -> memref<1000000x32xf32, #tpu.memory_space<hbm>>
      tpu.wait_indirect_dma semaphore(%arg10 : memref<!tpu.dma_semaphore, #tpu.memory_space<semaphore_mem>>) src(%dma_wait3A_251 : memref<1000000x32xf32, #tpu.memory_space<hbm>>) dst(%arg6 : memref<128x32xf32, #tpu.memory_space<vmem>>)
      %gt3A = arith.constant 0 : i32
      %gt3A_252 = arith.cmpi sgt, %scan3A_243, %gt3A : i32
      %convert_element_type3A = arith.extui %gt3A_252 : i1 to i32
      %cond3A = arith.constant 0 : i32
      %cond3A_253 = arith.cmpi ne, %convert_element_type3A, %cond3A : i32
      scf.if %cond3A_253 {
        %sub3A_409 = arith.constant 2 : i32
        %sub3A_410 = arith.subi %mul3A_245, %sub3A_409 : i32
        %add3A_411 = arith.addi %mul3A_2, %sub3A_410 : i32
        %jit3A_412 = arith.constant 128 : i32
        %div3A_413 = arith.divsi %add3A_411, %jit3A_412 : i32
        %sign3A_414 = arith.constant 0 : i32
        %sign3A_415 = arith.cmpi sgt, %add3A_411, %sign3A_414 : i32
        %sign3A_416 = arith.extui %sign3A_415 : i1 to i32
        %sign3A_417 = arith.constant 0 : i32
        %sign3A_418 = arith.cmpi slt, %add3A_411, %sign3A_417 : i32
        %sign3A_419 = arith.extui %sign3A_418 : i1 to i32
        %sign3A_420 = arith.subi %sign3A_416, %sign3A_419 : i32
        %sign3A_421 = arith.constant 0 : i32
        %sign3A_422 = arith.cmpi sgt, %jit3A_412, %sign3A_421 : i32
        %sign3A_423 = arith.extui %sign3A_422 : i1 to i32
        %sign3A_424 = arith.constant 0 : i32
        %sign3A_425 = arith.cmpi slt, %jit3A_412, %sign3A_424 : i32
        %sign3A_426 = arith.extui %sign3A_425 : i1 to i32
        %sign3A_427 = arith.subi %sign3A_423, %sign3A_426 : i32
        %ne3A_428 = arith.cmpi ne, %sign3A_420, %sign3A_427 : i32
        %rem3A_429 = arith.remsi %add3A_411, %jit3A_412 : i32
        %ne3A_430 = arith.constant 0 : i32
        %ne3A_431 = arith.cmpi ne, %rem3A_429, %ne3A_430 : i32
        %and3A_432 = arith.andi %ne3A_428, %ne3A_431 : i1
        %sub3A_433 = arith.constant 1 : i32
        %sub3A_434 = arith.subi %div3A_413, %sub3A_433 : i32
        %select_n3A_435 = arith.select %and3A_432, %sub3A_434, %div3A_413 : i32
        %jit3A_436 = arith.constant 128 : i32
        %eq3A_437 = arith.constant 0 : i32
        %eq3A_438 = arith.cmpi eq, %jit3A_436, %eq3A_437 : i32
        %jit3A_439 = arith.constant 1 : i32
        %select_n3A_440 = arith.select %eq3A_438, %jit3A_439, %jit3A_436 : i32
        %rem3A_441 = arith.remsi %add3A_411, %select_n3A_440 : i32
        %ne3A_442 = arith.constant 0 : i32
        %ne3A_443 = arith.cmpi ne, %rem3A_441, %ne3A_442 : i32
        %lt3A_444 = arith.constant 0 : i32
        %lt3A_445 = arith.cmpi slt, %rem3A_441, %lt3A_444 : i32
        %lt3A_446 = arith.constant 0 : i32
        %lt3A_447 = arith.cmpi slt, %select_n3A_440, %lt3A_446 : i32
        %ne3A_448 = arith.xori %lt3A_445, %lt3A_447 : i1
        %and3A_449 = arith.andi %ne3A_448, %ne3A_443 : i1
        %add3A_450 = arith.addi %rem3A_441, %select_n3A_440 : i32
        %select_n3A_451 = arith.select %and3A_449, %add3A_450, %rem3A_441 : i32
        %dma_wait3A_452 = arith.constant 0 : i32
        %dma_wait3A_453 = arith.constant 0 : i32
        %dma_wait3A_454 = arith.constant 0 : i32
        %dma_wait3A_455 = tpu.memref_slice %arg8[%dma_wait3A_452, %dma_wait3A_453, %dma_wait3A_454] : memref<4x8x137xf32, #tpu.memory_space<vmem>> -> memref<4x8x128xf32, #tpu.memory_space<vmem>>
        %dma_wait3A_456 = arith.constant 0 : i32
        %dma_wait3A_457 = arith.constant 0 : i32
        %dma_wait3A_458 = arith.constant 0 : i32
        %dma_wait3A_459 = tpu.memref_slice %arg4[%select_n3A_435, %dma_wait3A_456, %select_n3A_451, %dma_wait3A_457, %dma_wait3A_458] : memref<50x4x128x8x128xf32, #tpu.memory_space<hbm>> -> memref<1x4x1x8x128xf32, #tpu.memory_space<hbm>>
        %dma_wait3A_460 = tpu.memref_squeeze %dma_wait3A_459 : memref<1x4x1x8x128xf32, #tpu.memory_space<hbm>> -> memref<4x8x128xf32, #tpu.memory_space<hbm>>
        %dma_wait3A_461 = arith.constant 0 : i32
        %dma_wait3A_462 = arith.constant 0 : i32
        %dma_wait3A_463 = arith.constant 0 : i32
        %dma_wait3A_464 = tpu.memref_slice %arg4[%select_n3A_435, %dma_wait3A_461, %select_n3A_451, %dma_wait3A_462, %dma_wait3A_463] : memref<50x4x128x8x128xf32, #tpu.memory_space<hbm>> -> memref<1x4x1x8x128xf32, #tpu.memory_space<hbm>>
        %dma_wait3A_465 = tpu.memref_squeeze %dma_wait3A_464 : memref<1x4x1x8x128xf32, #tpu.memory_space<hbm>> -> memref<4x8x128xf32, #tpu.memory_space<hbm>>
        %dma_wait3A_466 = arith.constant 0 : i32
        %dma_wait3A_467 = arith.constant 0 : i32
        %dma_wait3A_468 = arith.constant 0 : i32
        %dma_wait3A_469 = tpu.memref_slice %arg8[%dma_wait3A_466, %dma_wait3A_467, %dma_wait3A_468] : memref<4x8x137xf32, #tpu.memory_space<vmem>> -> memref<4x8x128xf32, #tpu.memory_space<vmem>>
        tpu.wait_dma2 semaphore(%arg12 : memref<!tpu.dma_semaphore, #tpu.memory_space<semaphore_mem>>) src(%dma_wait3A_469 : memref<4x8x128xf32, #tpu.memory_space<vmem>>) dst(%dma_wait3A_465 : memref<4x8x128xf32, #tpu.memory_space<hbm>>)
      } else {
      }
      %scan3A_254 = arith.constant 0 : i32
      %scan3A_255 = arith.constant 0 : i32
      %scan3A_256 = arith.constant 16 : i32
      %scan3A_257 = arith.addi %scan3A_255, %scan3A_256 : i32
      %scan3A_258 = arith.constant 1 : i32
      scf.for %scan3A_409 = %scan3A_255 to %scan3A_257 step %scan3A_258  : i32 {
        %mul3A_410 = arith.constant 8 : i32
        %mul3A_411 = arith.muli %scan3A_409, %mul3A_410 : i32
        %add3A_412 = arith.constant 0 : i32
        %add3A_413 = arith.addi %mul3A_411, %add3A_412 : i32
        %broadcast_in_dim3A = vector.broadcast %add3A_413 : i32 to vector<16xi32>
        %get3A = arith.index_cast %add3A_413 : i32 to index
        %get3A_414 = arith.constant 0 : index
        %get3A_415 = tpu.vector_load %arg6[%get3A, %get3A_414] {strides = array<i32>} : memref<128x32xf32, #tpu.memory_space<vmem>>, vector<16xf32>,
        tpu.vector_store_idx %arg8[%select_n3A, %select_n3A_83, %broadcast_in_dim3A], %get3A_415 : memref<4x8x137xf32, #tpu.memory_space<vmem>>[vector<16xi32>, vector<16xi32>, vector<16xi32>], vector<16xf32>,
        %get3A_416 = arith.index_cast %add3A_413 : i32 to index
        %get3A_417 = arith.constant 16 : index
        %get3A_418 = tpu.vector_load %arg6[%get3A_416, %get3A_417] {strides = array<i32>} : memref<128x32xf32, #tpu.memory_space<vmem>>, vector<16xf32>,
        tpu.vector_store_idx %arg8[%select_n3A_63, %select_n3A_105, %broadcast_in_dim3A], %get3A_418 : memref<4x8x137xf32, #tpu.memory_space<vmem>>[vector<16xi32>, vector<16xi32>, vector<16xi32>], vector<16xf32>,
        %add3A_419 = arith.constant 1 : i32
        %add3A_420 = arith.addi %mul3A_411, %add3A_419 : i32
        %broadcast_in_dim3A_421 = vector.broadcast %add3A_420 : i32 to vector<16xi32>
        %get3A_422 = arith.index_cast %add3A_420 : i32 to index
        %get3A_423 = arith.constant 0 : index
        %get3A_424 = tpu.vector_load %arg6[%get3A_422, %get3A_423] {strides = array<i32>} : memref<128x32xf32, #tpu.memory_space<vmem>>, vector<16xf32>,
        tpu.vector_store_idx %arg8[%select_n3A, %select_n3A_83, %broadcast_in_dim3A_421], %get3A_424 : memref<4x8x137xf32, #tpu.memory_space<vmem>>[vector<16xi32>, vector<16xi32>, vector<16xi32>], vector<16xf32>,
        %get3A_425 = arith.index_cast %add3A_420 : i32 to index
        %get3A_426 = arith.constant 16 : index
        %get3A_427 = tpu.vector_load %arg6[%get3A_425, %get3A_426] {strides = array<i32>} : memref<128x32xf32, #tpu.memory_space<vmem>>, vector<16xf32>,
        tpu.vector_store_idx %arg8[%select_n3A_63, %select_n3A_105, %broadcast_in_dim3A_421], %get3A_427 : memref<4x8x137xf32, #tpu.memory_space<vmem>>[vector<16xi32>, vector<16xi32>, vector<16xi32>], vector<16xf32>,
        %add3A_428 = arith.constant 2 : i32
        %add3A_429 = arith.addi %mul3A_411, %add3A_428 : i32
        %broadcast_in_dim3A_430 = vector.broadcast %add3A_429 : i32 to vector<16xi32>
        %get3A_431 = arith.index_cast %add3A_429 : i32 to index
        %get3A_432 = arith.constant 0 : index
        %get3A_433 = tpu.vector_load %arg6[%get3A_431, %get3A_432] {strides = array<i32>} : memref<128x32xf32, #tpu.memory_space<vmem>>, vector<16xf32>,
        tpu.vector_store_idx %arg8[%select_n3A, %select_n3A_83, %broadcast_in_dim3A_430], %get3A_433 : memref<4x8x137xf32, #tpu.memory_space<vmem>>[vector<16xi32>, vector<16xi32>, vector<16xi32>], vector<16xf32>,
        %get3A_434 = arith.index_cast %add3A_429 : i32 to index
        %get3A_435 = arith.constant 16 : index
        %get3A_436 = tpu.vector_load %arg6[%get3A_434, %get3A_435] {strides = array<i32>} : memref<128x32xf32, #tpu.memory_space<vmem>>, vector<16xf32>,
        tpu.vector_store_idx %arg8[%select_n3A_63, %select_n3A_105, %broadcast_in_dim3A_430], %get3A_436 : memref<4x8x137xf32, #tpu.memory_space<vmem>>[vector<16xi32>, vector<16xi32>, vector<16xi32>], vector<16xf32>,
        %add3A_437 = arith.constant 3 : i32
        %add3A_438 = arith.addi %mul3A_411, %add3A_437 : i32
        %broadcast_in_dim3A_439 = vector.broadcast %add3A_438 : i32 to vector<16xi32>
        %get3A_440 = arith.index_cast %add3A_438 : i32 to index
        %get3A_441 = arith.constant 0 : index
        %get3A_442 = tpu.vector_load %arg6[%get3A_440, %get3A_441] {strides = array<i32>} : memref<128x32xf32, #tpu.memory_space<vmem>>, vector<16xf32>,
        tpu.vector_store_idx %arg8[%select_n3A, %select_n3A_83, %broadcast_in_dim3A_439], %get3A_442 : memref<4x8x137xf32, #tpu.memory_space<vmem>>[vector<16xi32>, vector<16xi32>, vector<16xi32>], vector<16xf32>,
        %get3A_443 = arith.index_cast %add3A_438 : i32 to index
        %get3A_444 = arith.constant 16 : index
        %get3A_445 = tpu.vector_load %arg6[%get3A_443, %get3A_444] {strides = array<i32>} : memref<128x32xf32, #tpu.memory_space<vmem>>, vector<16xf32>,
        tpu.vector_store_idx %arg8[%select_n3A_63, %select_n3A_105, %broadcast_in_dim3A_439], %get3A_445 : memref<4x8x137xf32, #tpu.memory_space<vmem>>[vector<16xi32>, vector<16xi32>, vector<16xi32>], vector<16xf32>,
        %add3A_446 = arith.constant 4 : i32
        %add3A_447 = arith.addi %mul3A_411, %add3A_446 : i32
        %broadcast_in_dim3A_448 = vector.broadcast %add3A_447 : i32 to vector<16xi32>
        %get3A_449 = arith.index_cast %add3A_447 : i32 to index
        %get3A_450 = arith.constant 0 : index
        %get3A_451 = tpu.vector_load %arg6[%get3A_449, %get3A_450] {strides = array<i32>} : memref<128x32xf32, #tpu.memory_space<vmem>>, vector<16xf32>,
        tpu.vector_store_idx %arg8[%select_n3A, %select_n3A_83, %broadcast_in_dim3A_448], %get3A_451 : memref<4x8x137xf32, #tpu.memory_space<vmem>>[vector<16xi32>, vector<16xi32>, vector<16xi32>], vector<16xf32>,
        %get3A_452 = arith.index_cast %add3A_447 : i32 to index
        %get3A_453 = arith.constant 16 : index
        %get3A_454 = tpu.vector_load %arg6[%get3A_452, %get3A_453] {strides = array<i32>} : memref<128x32xf32, #tpu.memory_space<vmem>>, vector<16xf32>,
        tpu.vector_store_idx %arg8[%select_n3A_63, %select_n3A_105, %broadcast_in_dim3A_448], %get3A_454 : memref<4x8x137xf32, #tpu.memory_space<vmem>>[vector<16xi32>, vector<16xi32>, vector<16xi32>], vector<16xf32>,
        %add3A_455 = arith.constant 5 : i32
        %add3A_456 = arith.addi %mul3A_411, %add3A_455 : i32
        %broadcast_in_dim3A_457 = vector.broadcast %add3A_456 : i32 to vector<16xi32>
        %get3A_458 = arith.index_cast %add3A_456 : i32 to index
        %get3A_459 = arith.constant 0 : index
        %get3A_460 = tpu.vector_load %arg6[%get3A_458, %get3A_459] {strides = array<i32>} : memref<128x32xf32, #tpu.memory_space<vmem>>, vector<16xf32>,
        tpu.vector_store_idx %arg8[%select_n3A, %select_n3A_83, %broadcast_in_dim3A_457], %get3A_460 : memref<4x8x137xf32, #tpu.memory_space<vmem>>[vector<16xi32>, vector<16xi32>, vector<16xi32>], vector<16xf32>,
        %get3A_461 = arith.index_cast %add3A_456 : i32 to index
        %get3A_462 = arith.constant 16 : index
        %get3A_463 = tpu.vector_load %arg6[%get3A_461, %get3A_462] {strides = array<i32>} : memref<128x32xf32, #tpu.memory_space<vmem>>, vector<16xf32>,
        tpu.vector_store_idx %arg8[%select_n3A_63, %select_n3A_105, %broadcast_in_dim3A_457], %get3A_463 : memref<4x8x137xf32, #tpu.memory_space<vmem>>[vector<16xi32>, vector<16xi32>, vector<16xi32>], vector<16xf32>,
        %add3A_464 = arith.constant 6 : i32
        %add3A_465 = arith.addi %mul3A_411, %add3A_464 : i32
        %broadcast_in_dim3A_466 = vector.broadcast %add3A_465 : i32 to vector<16xi32>
        %get3A_467 = arith.index_cast %add3A_465 : i32 to index
        %get3A_468 = arith.constant 0 : index
        %get3A_469 = tpu.vector_load %arg6[%get3A_467, %get3A_468] {strides = array<i32>} : memref<128x32xf32, #tpu.memory_space<vmem>>, vector<16xf32>,
        tpu.vector_store_idx %arg8[%select_n3A, %select_n3A_83, %broadcast_in_dim3A_466], %get3A_469 : memref<4x8x137xf32, #tpu.memory_space<vmem>>[vector<16xi32>, vector<16xi32>, vector<16xi32>], vector<16xf32>,
        %get3A_470 = arith.index_cast %add3A_465 : i32 to index
        %get3A_471 = arith.constant 16 : index
        %get3A_472 = tpu.vector_load %arg6[%get3A_470, %get3A_471] {strides = array<i32>} : memref<128x32xf32, #tpu.memory_space<vmem>>, vector<16xf32>,
        tpu.vector_store_idx %arg8[%select_n3A_63, %select_n3A_105, %broadcast_in_dim3A_466], %get3A_472 : memref<4x8x137xf32, #tpu.memory_space<vmem>>[vector<16xi32>, vector<16xi32>, vector<16xi32>], vector<16xf32>,
        %add3A_473 = arith.constant 7 : i32
        %add3A_474 = arith.addi %mul3A_411, %add3A_473 : i32
        %broadcast_in_dim3A_475 = vector.broadcast %add3A_474 : i32 to vector<16xi32>
        %get3A_476 = arith.index_cast %add3A_474 : i32 to index
        %get3A_477 = arith.constant 0 : index
        %get3A_478 = tpu.vector_load %arg6[%get3A_476, %get3A_477] {strides = array<i32>} : memref<128x32xf32, #tpu.memory_space<vmem>>, vector<16xf32>,
        tpu.vector_store_idx %arg8[%select_n3A, %select_n3A_83, %broadcast_in_dim3A_475], %get3A_478 : memref<4x8x137xf32, #tpu.memory_space<vmem>>[vector<16xi32>, vector<16xi32>, vector<16xi32>], vector<16xf32>,
        %get3A_479 = arith.index_cast %add3A_474 : i32 to index
        %get3A_480 = arith.constant 16 : index
        %get3A_481 = tpu.vector_load %arg6[%get3A_479, %get3A_480] {strides = array<i32>} : memref<128x32xf32, #tpu.memory_space<vmem>>, vector<16xf32>,
        tpu.vector_store_idx %arg8[%select_n3A_63, %select_n3A_105, %broadcast_in_dim3A_475], %get3A_481 : memref<4x8x137xf32, #tpu.memory_space<vmem>>[vector<16xi32>, vector<16xi32>, vector<16xi32>], vector<16xf32>,
      }
      %scan3A_259 = arith.constant 16 : i32
      %add3A_260 = arith.addi %mul3A_2, %mul3A_245 : i32
      %jit3A_261 = arith.constant 128 : i32
      %div3A_262 = arith.divsi %add3A_260, %jit3A_261 : i32
      %sign3A_263 = arith.constant 0 : i32
      %sign3A_264 = arith.cmpi sgt, %add3A_260, %sign3A_263 : i32
      %sign3A_265 = arith.extui %sign3A_264 : i1 to i32
      %sign3A_266 = arith.constant 0 : i32
      %sign3A_267 = arith.cmpi slt, %add3A_260, %sign3A_266 : i32
      %sign3A_268 = arith.extui %sign3A_267 : i1 to i32
      %sign3A_269 = arith.subi %sign3A_265, %sign3A_268 : i32
      %sign3A_270 = arith.constant 0 : i32
      %sign3A_271 = arith.cmpi sgt, %jit3A_261, %sign3A_270 : i32
      %sign3A_272 = arith.extui %sign3A_271 : i1 to i32
      %sign3A_273 = arith.constant 0 : i32
      %sign3A_274 = arith.cmpi slt, %jit3A_261, %sign3A_273 : i32
      %sign3A_275 = arith.extui %sign3A_274 : i1 to i32
      %sign3A_276 = arith.subi %sign3A_272, %sign3A_275 : i32
      %ne3A_277 = arith.cmpi ne, %sign3A_269, %sign3A_276 : i32
      %rem3A_278 = arith.remsi %add3A_260, %jit3A_261 : i32
      %ne3A_279 = arith.constant 0 : i32
      %ne3A_280 = arith.cmpi ne, %rem3A_278, %ne3A_279 : i32
      %and3A_281 = arith.andi %ne3A_277, %ne3A_280 : i1
      %sub3A_282 = arith.constant 1 : i32
      %sub3A_283 = arith.subi %div3A_262, %sub3A_282 : i32
      %select_n3A_284 = arith.select %and3A_281, %sub3A_283, %div3A_262 : i32
      %jit3A_285 = arith.constant 128 : i32
      %eq3A_286 = arith.constant 0 : i32
      %eq3A_287 = arith.cmpi eq, %jit3A_285, %eq3A_286 : i32
      %jit3A_288 = arith.constant 1 : i32
      %select_n3A_289 = arith.select %eq3A_287, %jit3A_288, %jit3A_285 : i32
      %rem3A_290 = arith.remsi %add3A_260, %select_n3A_289 : i32
      %ne3A_291 = arith.constant 0 : i32
      %ne3A_292 = arith.cmpi ne, %rem3A_290, %ne3A_291 : i32
      %lt3A_293 = arith.constant 0 : i32
      %lt3A_294 = arith.cmpi slt, %rem3A_290, %lt3A_293 : i32
      %lt3A_295 = arith.constant 0 : i32
      %lt3A_296 = arith.cmpi slt, %select_n3A_289, %lt3A_295 : i32
      %ne3A_297 = arith.xori %lt3A_294, %lt3A_296 : i1
      %and3A_298 = arith.andi %ne3A_297, %ne3A_292 : i1
      %add3A_299 = arith.addi %rem3A_290, %select_n3A_289 : i32
      %select_n3A_300 = arith.select %and3A_298, %add3A_299, %rem3A_290 : i32
      %dma_start3A_301 = arith.constant 0 : i32
      %dma_start3A_302 = arith.constant 0 : i32
      %dma_start3A_303 = arith.constant 0 : i32
      %dma_start3A_304 = tpu.memref_slice %arg8[%dma_start3A_301, %dma_start3A_302, %dma_start3A_303] : memref<4x8x137xf32, #tpu.memory_space<vmem>> -> memref<4x8x128xf32, #tpu.memory_space<vmem>>
      %dma_start3A_305 = arith.constant 0 : i32
      %dma_start3A_306 = arith.constant 0 : i32
      %dma_start3A_307 = arith.constant 0 : i32
      %dma_start3A_308 = tpu.memref_slice %arg4[%select_n3A_284, %dma_start3A_305, %select_n3A_300, %dma_start3A_306, %dma_start3A_307] : memref<50x4x128x8x128xf32, #tpu.memory_space<hbm>> -> memref<1x4x1x8x128xf32, #tpu.memory_space<hbm>>
      %dma_start3A_309 = tpu.memref_squeeze %dma_start3A_308 : memref<1x4x1x8x128xf32, #tpu.memory_space<hbm>> -> memref<4x8x128xf32, #tpu.memory_space<hbm>>
      %dma_start3A_310 = arith.constant 0 : i32
      %dma_start3A_311 = arith.constant 0 : i32
      %dma_start3A_312 = arith.constant 0 : i32
      %dma_start3A_313 = tpu.memref_slice %arg4[%select_n3A_284, %dma_start3A_310, %select_n3A_300, %dma_start3A_311, %dma_start3A_312] : memref<50x4x128x8x128xf32, #tpu.memory_space<hbm>> -> memref<1x4x1x8x128xf32, #tpu.memory_space<hbm>>
      %dma_start3A_314 = tpu.memref_squeeze %dma_start3A_313 : memref<1x4x1x8x128xf32, #tpu.memory_space<hbm>> -> memref<4x8x128xf32, #tpu.memory_space<hbm>>
      %dma_start3A_315 = arith.constant 0 : i32
      %dma_start3A_316 = arith.constant 0 : i32
      %dma_start3A_317 = arith.constant 0 : i32
      %dma_start3A_318 = tpu.memref_slice %arg8[%dma_start3A_315, %dma_start3A_316, %dma_start3A_317] : memref<4x8x137xf32, #tpu.memory_space<vmem>> -> memref<4x8x128xf32, #tpu.memory_space<vmem>>
      tpu.enqueue_dma source(%dma_start3A_318 : memref<4x8x128xf32, #tpu.memory_space<vmem>>) target(%dma_start3A_314 : memref<4x8x128xf32, #tpu.memory_space<hbm>>) target_semaphore(%arg12 : memref<!tpu.dma_semaphore, #tpu.memory_space<semaphore_mem>>)
      %lt3A_319 = arith.constant 99 : i32
      %lt3A_320 = arith.cmpi slt, %scan3A_243, %lt3A_319 : i32
      %convert_element_type3A_321 = arith.extui %lt3A_320 : i1 to i32
      %cond3A_322 = arith.constant 0 : i32
      %cond3A_323 = arith.cmpi ne, %convert_element_type3A_321, %cond3A_322 : i32
      scf.if %cond3A_323 {
        %add3A_409 = arith.constant 2 : i32
        %add3A_410 = arith.addi %mul3A_245, %add3A_409 : i32
        %dma_start3A_411 = arith.constant 0 : i32
        %dma_start3A_412 = tpu.memref_slice %arg5[%add3A_410, %dma_start3A_411] : memref<200x128xi32, #tpu.memory_space<vmem>> -> memref<1x128xi32, #tpu.memory_space<vmem>>
        %dma_start3A_413 = tpu.memref_squeeze %dma_start3A_412 : memref<1x128xi32, #tpu.memory_space<vmem>> -> memref<128xi32, #tpu.memory_space<vmem>>
        %dma_start3A_414 = arith.constant 0 : i32
        %dma_start3A_415 = arith.constant 0 : i32
        %dma_start3A_416 = tpu.memref_slice %arg3[%dma_start3A_414, %dma_start3A_415] : memref<1000000x32xf32, #tpu.memory_space<hbm>> -> memref<1000000x32xf32, #tpu.memory_space<hbm>>
        tpu.enqueue_indirect_dma source(%dma_start3A_416 : memref<1000000x32xf32, #tpu.memory_space<hbm>>) target(%arg6 : memref<128x32xf32, #tpu.memory_space<vmem>>) offsets(%dma_start3A_413 : memref<128xi32, #tpu.memory_space<vmem>>) semaphore(%arg10 : memref<!tpu.dma_semaphore, #tpu.memory_space<semaphore_mem>>)
      } else {
      }
      %add3A_324 = arith.constant 1 : i32
      %add3A_325 = arith.addi %mul3A_245, %add3A_324 : i32
      %dma_wait3A_326 = arith.constant 0 : i32
      %dma_wait3A_327 = tpu.memref_slice %arg5[%add3A_325, %dma_wait3A_326] : memref<200x128xi32, #tpu.memory_space<vmem>> -> memref<1x128xi32, #tpu.memory_space<vmem>>
      %dma_wait3A_328 = tpu.memref_squeeze %dma_wait3A_327 : memref<1x128xi32, #tpu.memory_space<vmem>> -> memref<128xi32, #tpu.memory_space<vmem>>
      %dma_wait3A_329 = arith.constant 0 : i32
      %dma_wait3A_330 = arith.constant 0 : i32
      %dma_wait3A_331 = tpu.memref_slice %arg3[%dma_wait3A_329, %dma_wait3A_330] : memref<1000000x32xf32, #tpu.memory_space<hbm>> -> memref<1000000x32xf32, #tpu.memory_space<hbm>>
      tpu.wait_indirect_dma semaphore(%arg11 : memref<!tpu.dma_semaphore, #tpu.memory_space<semaphore_mem>>) src(%dma_wait3A_331 : memref<1000000x32xf32, #tpu.memory_space<hbm>>) dst(%arg7 : memref<128x32xf32, #tpu.memory_space<vmem>>)
      %gt3A_332 = arith.constant 0 : i32
      %gt3A_333 = arith.cmpi sgt, %scan3A_243, %gt3A_332 : i32
      %convert_element_type3A_334 = arith.extui %gt3A_333 : i1 to i32
      %cond3A_335 = arith.constant 0 : i32
      %cond3A_336 = arith.cmpi ne, %convert_element_type3A_334, %cond3A_335 : i32
      scf.if %cond3A_336 {
        %sub3A_409 = arith.constant 1 : i32
        %sub3A_410 = arith.subi %mul3A_245, %sub3A_409 : i32
        %add3A_411 = arith.addi %mul3A_2, %sub3A_410 : i32
        %jit3A_412 = arith.constant 128 : i32
        %div3A_413 = arith.divsi %add3A_411, %jit3A_412 : i32
        %sign3A_414 = arith.constant 0 : i32
        %sign3A_415 = arith.cmpi sgt, %add3A_411, %sign3A_414 : i32
        %sign3A_416 = arith.extui %sign3A_415 : i1 to i32
        %sign3A_417 = arith.constant 0 : i32
        %sign3A_418 = arith.cmpi slt, %add3A_411, %sign3A_417 : i32
        %sign3A_419 = arith.extui %sign3A_418 : i1 to i32
        %sign3A_420 = arith.subi %sign3A_416, %sign3A_419 : i32
        %sign3A_421 = arith.constant 0 : i32
        %sign3A_422 = arith.cmpi sgt, %jit3A_412, %sign3A_421 : i32
        %sign3A_423 = arith.extui %sign3A_422 : i1 to i32
        %sign3A_424 = arith.constant 0 : i32
        %sign3A_425 = arith.cmpi slt, %jit3A_412, %sign3A_424 : i32
        %sign3A_426 = arith.extui %sign3A_425 : i1 to i32
        %sign3A_427 = arith.subi %sign3A_423, %sign3A_426 : i32
        %ne3A_428 = arith.cmpi ne, %sign3A_420, %sign3A_427 : i32
        %rem3A_429 = arith.remsi %add3A_411, %jit3A_412 : i32
        %ne3A_430 = arith.constant 0 : i32
        %ne3A_431 = arith.cmpi ne, %rem3A_429, %ne3A_430 : i32
        %and3A_432 = arith.andi %ne3A_428, %ne3A_431 : i1
        %sub3A_433 = arith.constant 1 : i32
        %sub3A_434 = arith.subi %div3A_413, %sub3A_433 : i32
        %select_n3A_435 = arith.select %and3A_432, %sub3A_434, %div3A_413 : i32
        %jit3A_436 = arith.constant 128 : i32
        %eq3A_437 = arith.constant 0 : i32
        %eq3A_438 = arith.cmpi eq, %jit3A_436, %eq3A_437 : i32
        %jit3A_439 = arith.constant 1 : i32
        %select_n3A_440 = arith.select %eq3A_438, %jit3A_439, %jit3A_436 : i32
        %rem3A_441 = arith.remsi %add3A_411, %select_n3A_440 : i32
        %ne3A_442 = arith.constant 0 : i32
        %ne3A_443 = arith.cmpi ne, %rem3A_441, %ne3A_442 : i32
        %lt3A_444 = arith.constant 0 : i32
        %lt3A_445 = arith.cmpi slt, %rem3A_441, %lt3A_444 : i32
        %lt3A_446 = arith.constant 0 : i32
        %lt3A_447 = arith.cmpi slt, %select_n3A_440, %lt3A_446 : i32
        %ne3A_448 = arith.xori %lt3A_445, %lt3A_447 : i1
        %and3A_449 = arith.andi %ne3A_448, %ne3A_443 : i1
        %add3A_450 = arith.addi %rem3A_441, %select_n3A_440 : i32
        %select_n3A_451 = arith.select %and3A_449, %add3A_450, %rem3A_441 : i32
        %dma_wait3A_452 = arith.constant 0 : i32
        %dma_wait3A_453 = arith.constant 0 : i32
        %dma_wait3A_454 = arith.constant 0 : i32
        %dma_wait3A_455 = tpu.memref_slice %arg9[%dma_wait3A_452, %dma_wait3A_453, %dma_wait3A_454] : memref<4x8x137xf32, #tpu.memory_space<vmem>> -> memref<4x8x128xf32, #tpu.memory_space<vmem>>
        %dma_wait3A_456 = arith.constant 0 : i32
        %dma_wait3A_457 = arith.constant 0 : i32
        %dma_wait3A_458 = arith.constant 0 : i32
        %dma_wait3A_459 = tpu.memref_slice %arg4[%select_n3A_435, %dma_wait3A_456, %select_n3A_451, %dma_wait3A_457, %dma_wait3A_458] : memref<50x4x128x8x128xf32, #tpu.memory_space<hbm>> -> memref<1x4x1x8x128xf32, #tpu.memory_space<hbm>>
        %dma_wait3A_460 = tpu.memref_squeeze %dma_wait3A_459 : memref<1x4x1x8x128xf32, #tpu.memory_space<hbm>> -> memref<4x8x128xf32, #tpu.memory_space<hbm>>
        %dma_wait3A_461 = arith.constant 0 : i32
        %dma_wait3A_462 = arith.constant 0 : i32
        %dma_wait3A_463 = arith.constant 0 : i32
        %dma_wait3A_464 = tpu.memref_slice %arg4[%select_n3A_435, %dma_wait3A_461, %select_n3A_451, %dma_wait3A_462, %dma_wait3A_463] : memref<50x4x128x8x128xf32, #tpu.memory_space<hbm>> -> memref<1x4x1x8x128xf32, #tpu.memory_space<hbm>>
        %dma_wait3A_465 = tpu.memref_squeeze %dma_wait3A_464 : memref<1x4x1x8x128xf32, #tpu.memory_space<hbm>> -> memref<4x8x128xf32, #tpu.memory_space<hbm>>
        %dma_wait3A_466 = arith.constant 0 : i32
        %dma_wait3A_467 = arith.constant 0 : i32
        %dma_wait3A_468 = arith.constant 0 : i32
        %dma_wait3A_469 = tpu.memref_slice %arg9[%dma_wait3A_466, %dma_wait3A_467, %dma_wait3A_468] : memref<4x8x137xf32, #tpu.memory_space<vmem>> -> memref<4x8x128xf32, #tpu.memory_space<vmem>>
        tpu.wait_dma2 semaphore(%arg13 : memref<!tpu.dma_semaphore, #tpu.memory_space<semaphore_mem>>) src(%dma_wait3A_469 : memref<4x8x128xf32, #tpu.memory_space<vmem>>) dst(%dma_wait3A_465 : memref<4x8x128xf32, #tpu.memory_space<hbm>>)
      } else {
      }
      %scan3A_337 = arith.constant 0 : i32
      %scan3A_338 = arith.constant 0 : i32
      %scan3A_339 = arith.constant 16 : i32
      %scan3A_340 = arith.addi %scan3A_338, %scan3A_339 : i32
      %scan3A_341 = arith.constant 1 : i32
      scf.for %scan3A_409 = %scan3A_338 to %scan3A_340 step %scan3A_341  : i32 {
        %mul3A_410 = arith.constant 8 : i32
        %mul3A_411 = arith.muli %scan3A_409, %mul3A_410 : i32
        %add3A_412 = arith.constant 0 : i32
        %add3A_413 = arith.addi %mul3A_411, %add3A_412 : i32
        %broadcast_in_dim3A = vector.broadcast %add3A_413 : i32 to vector<16xi32>
        %get3A = arith.index_cast %add3A_413 : i32 to index
        %get3A_414 = arith.constant 0 : index
        %get3A_415 = tpu.vector_load %arg7[%get3A, %get3A_414] {strides = array<i32>} : memref<128x32xf32, #tpu.memory_space<vmem>>, vector<16xf32>,
        tpu.vector_store_idx %arg9[%select_n3A, %select_n3A_83, %broadcast_in_dim3A], %get3A_415 : memref<4x8x137xf32, #tpu.memory_space<vmem>>[vector<16xi32>, vector<16xi32>, vector<16xi32>], vector<16xf32>,
        %get3A_416 = arith.index_cast %add3A_413 : i32 to index
        %get3A_417 = arith.constant 16 : index
        %get3A_418 = tpu.vector_load %arg7[%get3A_416, %get3A_417] {strides = array<i32>} : memref<128x32xf32, #tpu.memory_space<vmem>>, vector<16xf32>,
        tpu.vector_store_idx %arg9[%select_n3A_63, %select_n3A_105, %broadcast_in_dim3A], %get3A_418 : memref<4x8x137xf32, #tpu.memory_space<vmem>>[vector<16xi32>, vector<16xi32>, vector<16xi32>], vector<16xf32>,
        %add3A_419 = arith.constant 1 : i32
        %add3A_420 = arith.addi %mul3A_411, %add3A_419 : i32
        %broadcast_in_dim3A_421 = vector.broadcast %add3A_420 : i32 to vector<16xi32>
        %get3A_422 = arith.index_cast %add3A_420 : i32 to index
        %get3A_423 = arith.constant 0 : index
        %get3A_424 = tpu.vector_load %arg7[%get3A_422, %get3A_423] {strides = array<i32>} : memref<128x32xf32, #tpu.memory_space<vmem>>, vector<16xf32>,
        tpu.vector_store_idx %arg9[%select_n3A, %select_n3A_83, %broadcast_in_dim3A_421], %get3A_424 : memref<4x8x137xf32, #tpu.memory_space<vmem>>[vector<16xi32>, vector<16xi32>, vector<16xi32>], vector<16xf32>,
        %get3A_425 = arith.index_cast %add3A_420 : i32 to index
        %get3A_426 = arith.constant 16 : index
        %get3A_427 = tpu.vector_load %arg7[%get3A_425, %get3A_426] {strides = array<i32>} : memref<128x32xf32, #tpu.memory_space<vmem>>, vector<16xf32>,
        tpu.vector_store_idx %arg9[%select_n3A_63, %select_n3A_105, %broadcast_in_dim3A_421], %get3A_427 : memref<4x8x137xf32, #tpu.memory_space<vmem>>[vector<16xi32>, vector<16xi32>, vector<16xi32>], vector<16xf32>,
        %add3A_428 = arith.constant 2 : i32
        %add3A_429 = arith.addi %mul3A_411, %add3A_428 : i32
        %broadcast_in_dim3A_430 = vector.broadcast %add3A_429 : i32 to vector<16xi32>
        %get3A_431 = arith.index_cast %add3A_429 : i32 to index
        %get3A_432 = arith.constant 0 : index
        %get3A_433 = tpu.vector_load %arg7[%get3A_431, %get3A_432] {strides = array<i32>} : memref<128x32xf32, #tpu.memory_space<vmem>>, vector<16xf32>,
        tpu.vector_store_idx %arg9[%select_n3A, %select_n3A_83, %broadcast_in_dim3A_430], %get3A_433 : memref<4x8x137xf32, #tpu.memory_space<vmem>>[vector<16xi32>, vector<16xi32>, vector<16xi32>], vector<16xf32>,
        %get3A_434 = arith.index_cast %add3A_429 : i32 to index
        %get3A_435 = arith.constant 16 : index
        %get3A_436 = tpu.vector_load %arg7[%get3A_434, %get3A_435] {strides = array<i32>} : memref<128x32xf32, #tpu.memory_space<vmem>>, vector<16xf32>,
        tpu.vector_store_idx %arg9[%select_n3A_63, %select_n3A_105, %broadcast_in_dim3A_430], %get3A_436 : memref<4x8x137xf32, #tpu.memory_space<vmem>>[vector<16xi32>, vector<16xi32>, vector<16xi32>], vector<16xf32>,
        %add3A_437 = arith.constant 3 : i32
        %add3A_438 = arith.addi %mul3A_411, %add3A_437 : i32
        %broadcast_in_dim3A_439 = vector.broadcast %add3A_438 : i32 to vector<16xi32>
        %get3A_440 = arith.index_cast %add3A_438 : i32 to index
        %get3A_441 = arith.constant 0 : index
        %get3A_442 = tpu.vector_load %arg7[%get3A_440, %get3A_441] {strides = array<i32>} : memref<128x32xf32, #tpu.memory_space<vmem>>, vector<16xf32>,
        tpu.vector_store_idx %arg9[%select_n3A, %select_n3A_83, %broadcast_in_dim3A_439], %get3A_442 : memref<4x8x137xf32, #tpu.memory_space<vmem>>[vector<16xi32>, vector<16xi32>, vector<16xi32>], vector<16xf32>,
        %get3A_443 = arith.index_cast %add3A_438 : i32 to index
        %get3A_444 = arith.constant 16 : index
        %get3A_445 = tpu.vector_load %arg7[%get3A_443, %get3A_444] {strides = array<i32>} : memref<128x32xf32, #tpu.memory_space<vmem>>, vector<16xf32>,
        tpu.vector_store_idx %arg9[%select_n3A_63, %select_n3A_105, %broadcast_in_dim3A_439], %get3A_445 : memref<4x8x137xf32, #tpu.memory_space<vmem>>[vector<16xi32>, vector<16xi32>, vector<16xi32>], vector<16xf32>,
        %add3A_446 = arith.constant 4 : i32
        %add3A_447 = arith.addi %mul3A_411, %add3A_446 : i32
        %broadcast_in_dim3A_448 = vector.broadcast %add3A_447 : i32 to vector<16xi32>
        %get3A_449 = arith.index_cast %add3A_447 : i32 to index
        %get3A_450 = arith.constant 0 : index
        %get3A_451 = tpu.vector_load %arg7[%get3A_449, %get3A_450] {strides = array<i32>} : memref<128x32xf32, #tpu.memory_space<vmem>>, vector<16xf32>,
        tpu.vector_store_idx %arg9[%select_n3A, %select_n3A_83, %broadcast_in_dim3A_448], %get3A_451 : memref<4x8x137xf32, #tpu.memory_space<vmem>>[vector<16xi32>, vector<16xi32>, vector<16xi32>], vector<16xf32>,
        %get3A_452 = arith.index_cast %add3A_447 : i32 to index
        %get3A_453 = arith.constant 16 : index
        %get3A_454 = tpu.vector_load %arg7[%get3A_452, %get3A_453] {strides = array<i32>} : memref<128x32xf32, #tpu.memory_space<vmem>>, vector<16xf32>,
        tpu.vector_store_idx %arg9[%select_n3A_63, %select_n3A_105, %broadcast_in_dim3A_448], %get3A_454 : memref<4x8x137xf32, #tpu.memory_space<vmem>>[vector<16xi32>, vector<16xi32>, vector<16xi32>], vector<16xf32>,
        %add3A_455 = arith.constant 5 : i32
        %add3A_456 = arith.addi %mul3A_411, %add3A_455 : i32
        %broadcast_in_dim3A_457 = vector.broadcast %add3A_456 : i32 to vector<16xi32>
        %get3A_458 = arith.index_cast %add3A_456 : i32 to index
        %get3A_459 = arith.constant 0 : index
        %get3A_460 = tpu.vector_load %arg7[%get3A_458, %get3A_459] {strides = array<i32>} : memref<128x32xf32, #tpu.memory_space<vmem>>, vector<16xf32>,
        tpu.vector_store_idx %arg9[%select_n3A, %select_n3A_83, %broadcast_in_dim3A_457], %get3A_460 : memref<4x8x137xf32, #tpu.memory_space<vmem>>[vector<16xi32>, vector<16xi32>, vector<16xi32>], vector<16xf32>,
        %get3A_461 = arith.index_cast %add3A_456 : i32 to index
        %get3A_462 = arith.constant 16 : index
        %get3A_463 = tpu.vector_load %arg7[%get3A_461, %get3A_462] {strides = array<i32>} : memref<128x32xf32, #tpu.memory_space<vmem>>, vector<16xf32>,
        tpu.vector_store_idx %arg9[%select_n3A_63, %select_n3A_105, %broadcast_in_dim3A_457], %get3A_463 : memref<4x8x137xf32, #tpu.memory_space<vmem>>[vector<16xi32>, vector<16xi32>, vector<16xi32>], vector<16xf32>,
        %add3A_464 = arith.constant 6 : i32
        %add3A_465 = arith.addi %mul3A_411, %add3A_464 : i32
        %broadcast_in_dim3A_466 = vector.broadcast %add3A_465 : i32 to vector<16xi32>
        %get3A_467 = arith.index_cast %add3A_465 : i32 to index
        %get3A_468 = arith.constant 0 : index
        %get3A_469 = tpu.vector_load %arg7[%get3A_467, %get3A_468] {strides = array<i32>} : memref<128x32xf32, #tpu.memory_space<vmem>>, vector<16xf32>,
        tpu.vector_store_idx %arg9[%select_n3A, %select_n3A_83, %broadcast_in_dim3A_466], %get3A_469 : memref<4x8x137xf32, #tpu.memory_space<vmem>>[vector<16xi32>, vector<16xi32>, vector<16xi32>], vector<16xf32>,
        %get3A_470 = arith.index_cast %add3A_465 : i32 to index
        %get3A_471 = arith.constant 16 : index
        %get3A_472 = tpu.vector_load %arg7[%get3A_470, %get3A_471] {strides = array<i32>} : memref<128x32xf32, #tpu.memory_space<vmem>>, vector<16xf32>,
        tpu.vector_store_idx %arg9[%select_n3A_63, %select_n3A_105, %broadcast_in_dim3A_466], %get3A_472 : memref<4x8x137xf32, #tpu.memory_space<vmem>>[vector<16xi32>, vector<16xi32>, vector<16xi32>], vector<16xf32>,
        %add3A_473 = arith.constant 7 : i32
        %add3A_474 = arith.addi %mul3A_411, %add3A_473 : i32
        %broadcast_in_dim3A_475 = vector.broadcast %add3A_474 : i32 to vector<16xi32>
        %get3A_476 = arith.index_cast %add3A_474 : i32 to index
        %get3A_477 = arith.constant 0 : index
        %get3A_478 = tpu.vector_load %arg7[%get3A_476, %get3A_477] {strides = array<i32>} : memref<128x32xf32, #tpu.memory_space<vmem>>, vector<16xf32>,
        tpu.vector_store_idx %arg9[%select_n3A, %select_n3A_83, %broadcast_in_dim3A_475], %get3A_478 : memref<4x8x137xf32, #tpu.memory_space<vmem>>[vector<16xi32>, vector<16xi32>, vector<16xi32>], vector<16xf32>,
        %get3A_479 = arith.index_cast %add3A_474 : i32 to index
        %get3A_480 = arith.constant 16 : index
        %get3A_481 = tpu.vector_load %arg7[%get3A_479, %get3A_480] {strides = array<i32>} : memref<128x32xf32, #tpu.memory_space<vmem>>, vector<16xf32>,
        tpu.vector_store_idx %arg9[%select_n3A_63, %select_n3A_105, %broadcast_in_dim3A_475], %get3A_481 : memref<4x8x137xf32, #tpu.memory_space<vmem>>[vector<16xi32>, vector<16xi32>, vector<16xi32>], vector<16xf32>,
      }
      %scan3A_342 = arith.constant 16 : i32
      %add3A_343 = arith.constant 1 : i32
      %add3A_344 = arith.addi %mul3A_245, %add3A_343 : i32
      %add3A_345 = arith.addi %mul3A_2, %add3A_344 : i32
      %jit3A_346 = arith.constant 128 : i32
      %div3A_347 = arith.divsi %add3A_345, %jit3A_346 : i32
      %sign3A_348 = arith.constant 0 : i32
      %sign3A_349 = arith.cmpi sgt, %add3A_345, %sign3A_348 : i32
      %sign3A_350 = arith.extui %sign3A_349 : i1 to i32
      %sign3A_351 = arith.constant 0 : i32
      %sign3A_352 = arith.cmpi slt, %add3A_345, %sign3A_351 : i32
      %sign3A_353 = arith.extui %sign3A_352 : i1 to i32
      %sign3A_354 = arith.subi %sign3A_350, %sign3A_353 : i32
      %sign3A_355 = arith.constant 0 : i32
      %sign3A_356 = arith.cmpi sgt, %jit3A_346, %sign3A_355 : i32
      %sign3A_357 = arith.extui %sign3A_356 : i1 to i32
      %sign3A_358 = arith.constant 0 : i32
      %sign3A_359 = arith.cmpi slt, %jit3A_346, %sign3A_358 : i32
      %sign3A_360 = arith.extui %sign3A_359 : i1 to i32
      %sign3A_361 = arith.subi %sign3A_357, %sign3A_360 : i32
      %ne3A_362 = arith.cmpi ne, %sign3A_354, %sign3A_361 : i32
      %rem3A_363 = arith.remsi %add3A_345, %jit3A_346 : i32
      %ne3A_364 = arith.constant 0 : i32
      %ne3A_365 = arith.cmpi ne, %rem3A_363, %ne3A_364 : i32
      %and3A_366 = arith.andi %ne3A_362, %ne3A_365 : i1
      %sub3A_367 = arith.constant 1 : i32
      %sub3A_368 = arith.subi %div3A_347, %sub3A_367 : i32
      %select_n3A_369 = arith.select %and3A_366, %sub3A_368, %div3A_347 : i32
      %jit3A_370 = arith.constant 128 : i32
      %eq3A_371 = arith.constant 0 : i32
      %eq3A_372 = arith.cmpi eq, %jit3A_370, %eq3A_371 : i32
      %jit3A_373 = arith.constant 1 : i32
      %select_n3A_374 = arith.select %eq3A_372, %jit3A_373, %jit3A_370 : i32
      %rem3A_375 = arith.remsi %add3A_345, %select_n3A_374 : i32
      %ne3A_376 = arith.constant 0 : i32
      %ne3A_377 = arith.cmpi ne, %rem3A_375, %ne3A_376 : i32
      %lt3A_378 = arith.constant 0 : i32
      %lt3A_379 = arith.cmpi slt, %rem3A_375, %lt3A_378 : i32
      %lt3A_380 = arith.constant 0 : i32
      %lt3A_381 = arith.cmpi slt, %select_n3A_374, %lt3A_380 : i32
      %ne3A_382 = arith.xori %lt3A_379, %lt3A_381 : i1
      %and3A_383 = arith.andi %ne3A_382, %ne3A_377 : i1
      %add3A_384 = arith.addi %rem3A_375, %select_n3A_374 : i32
      %select_n3A_385 = arith.select %and3A_383, %add3A_384, %rem3A_375 : i32
      %dma_start3A_386 = arith.constant 0 : i32
      %dma_start3A_387 = arith.constant 0 : i32
      %dma_start3A_388 = arith.constant 0 : i32
      %dma_start3A_389 = tpu.memref_slice %arg9[%dma_start3A_386, %dma_start3A_387, %dma_start3A_388] : memref<4x8x137xf32, #tpu.memory_space<vmem>> -> memref<4x8x128xf32, #tpu.memory_space<vmem>>
      %dma_start3A_390 = arith.constant 0 : i32
      %dma_start3A_391 = arith.constant 0 : i32
      %dma_start3A_392 = arith.constant 0 : i32
      %dma_start3A_393 = tpu.memref_slice %arg4[%select_n3A_369, %dma_start3A_390, %select_n3A_385, %dma_start3A_391, %dma_start3A_392] : memref<50x4x128x8x128xf32, #tpu.memory_space<hbm>> -> memref<1x4x1x8x128xf32, #tpu.memory_space<hbm>>
      %dma_start3A_394 = tpu.memref_squeeze %dma_start3A_393 : memref<1x4x1x8x128xf32, #tpu.memory_space<hbm>> -> memref<4x8x128xf32, #tpu.memory_space<hbm>>
      %dma_start3A_395 = arith.constant 0 : i32
      %dma_start3A_396 = arith.constant 0 : i32
      %dma_start3A_397 = arith.constant 0 : i32
      %dma_start3A_398 = tpu.memref_slice %arg4[%select_n3A_369, %dma_start3A_395, %select_n3A_385, %dma_start3A_396, %dma_start3A_397] : memref<50x4x128x8x128xf32, #tpu.memory_space<hbm>> -> memref<1x4x1x8x128xf32, #tpu.memory_space<hbm>>
      %dma_start3A_399 = tpu.memref_squeeze %dma_start3A_398 : memref<1x4x1x8x128xf32, #tpu.memory_space<hbm>> -> memref<4x8x128xf32, #tpu.memory_space<hbm>>
      %dma_start3A_400 = arith.constant 0 : i32
      %dma_start3A_401 = arith.constant 0 : i32
      %dma_start3A_402 = arith.constant 0 : i32
      %dma_start3A_403 = tpu.memref_slice %arg9[%dma_start3A_400, %dma_start3A_401, %dma_start3A_402] : memref<4x8x137xf32, #tpu.memory_space<vmem>> -> memref<4x8x128xf32, #tpu.memory_space<vmem>>
      tpu.enqueue_dma source(%dma_start3A_403 : memref<4x8x128xf32, #tpu.memory_space<vmem>>) target(%dma_start3A_399 : memref<4x8x128xf32, #tpu.memory_space<hbm>>) target_semaphore(%arg13 : memref<!tpu.dma_semaphore, #tpu.memory_space<semaphore_mem>>)
      %lt3A_404 = arith.constant 99 : i32
      %lt3A_405 = arith.cmpi slt, %scan3A_243, %lt3A_404 : i32
      %convert_element_type3A_406 = arith.extui %lt3A_405 : i1 to i32
      %cond3A_407 = arith.constant 0 : i32
      %cond3A_408 = arith.cmpi ne, %convert_element_type3A_406, %cond3A_407 : i32
      scf.if %cond3A_408 {
        %add3A_409 = arith.constant 3 : i32
        %add3A_410 = arith.addi %mul3A_245, %add3A_409 : i32
        %dma_start3A_411 = arith.constant 0 : i32
        %dma_start3A_412 = tpu.memref_slice %arg5[%add3A_410, %dma_start3A_411] : memref<200x128xi32, #tpu.memory_space<vmem>> -> memref<1x128xi32, #tpu.memory_space<vmem>>
        %dma_start3A_413 = tpu.memref_squeeze %dma_start3A_412 : memref<1x128xi32, #tpu.memory_space<vmem>> -> memref<128xi32, #tpu.memory_space<vmem>>
        %dma_start3A_414 = arith.constant 0 : i32
        %dma_start3A_415 = arith.constant 0 : i32
        %dma_start3A_416 = tpu.memref_slice %arg3[%dma_start3A_414, %dma_start3A_415] : memref<1000000x32xf32, #tpu.memory_space<hbm>> -> memref<1000000x32xf32, #tpu.memory_space<hbm>>
        tpu.enqueue_indirect_dma source(%dma_start3A_416 : memref<1000000x32xf32, #tpu.memory_space<hbm>>) target(%arg7 : memref<128x32xf32, #tpu.memory_space<vmem>>) offsets(%dma_start3A_413 : memref<128xi32, #tpu.memory_space<vmem>>) semaphore(%arg11 : memref<!tpu.dma_semaphore, #tpu.memory_space<semaphore_mem>>)
      } else {
      }
    }
    %scan3A_123 = arith.constant 100 : i32
    %add3A_124 = arith.constant 198 : i32
    %add3A_125 = arith.addi %mul3A_2, %add3A_124 : i32
    %jit3A_126 = arith.constant 128 : i32
    %div3A_127 = arith.divsi %add3A_125, %jit3A_126 : i32
    %sign3A_128 = arith.constant 0 : i32
    %sign3A_129 = arith.cmpi sgt, %add3A_125, %sign3A_128 : i32
    %sign3A_130 = arith.extui %sign3A_129 : i1 to i32
    %sign3A_131 = arith.constant 0 : i32
    %sign3A_132 = arith.cmpi slt, %add3A_125, %sign3A_131 : i32
    %sign3A_133 = arith.extui %sign3A_132 : i1 to i32
    %sign3A_134 = arith.subi %sign3A_130, %sign3A_133 : i32
    %sign3A_135 = arith.constant 0 : i32
    %sign3A_136 = arith.cmpi sgt, %jit3A_126, %sign3A_135 : i32
    %sign3A_137 = arith.extui %sign3A_136 : i1 to i32
    %sign3A_138 = arith.constant 0 : i32
    %sign3A_139 = arith.cmpi slt, %jit3A_126, %sign3A_138 : i32
    %sign3A_140 = arith.extui %sign3A_139 : i1 to i32
    %sign3A_141 = arith.subi %sign3A_137, %sign3A_140 : i32
    %ne3A_142 = arith.cmpi ne, %sign3A_134, %sign3A_141 : i32
    %rem3A_143 = arith.remsi %add3A_125, %jit3A_126 : i32
    %ne3A_144 = arith.constant 0 : i32
    %ne3A_145 = arith.cmpi ne, %rem3A_143, %ne3A_144 : i32
    %and3A_146 = arith.andi %ne3A_142, %ne3A_145 : i1
    %sub3A_147 = arith.constant 1 : i32
    %sub3A_148 = arith.subi %div3A_127, %sub3A_147 : i32
    %select_n3A_149 = arith.select %and3A_146, %sub3A_148, %div3A_127 : i32
    %jit3A_150 = arith.constant 128 : i32
    %eq3A_151 = arith.constant 0 : i32
    %eq3A_152 = arith.cmpi eq, %jit3A_150, %eq3A_151 : i32
    %jit3A_153 = arith.constant 1 : i32
    %select_n3A_154 = arith.select %eq3A_152, %jit3A_153, %jit3A_150 : i32
    %rem3A_155 = arith.remsi %add3A_125, %select_n3A_154 : i32
    %ne3A_156 = arith.constant 0 : i32
    %ne3A_157 = arith.cmpi ne, %rem3A_155, %ne3A_156 : i32
    %lt3A_158 = arith.constant 0 : i32
    %lt3A_159 = arith.cmpi slt, %rem3A_155, %lt3A_158 : i32
    %lt3A_160 = arith.constant 0 : i32
    %lt3A_161 = arith.cmpi slt, %select_n3A_154, %lt3A_160 : i32
    %ne3A_162 = arith.xori %lt3A_159, %lt3A_161 : i1
    %and3A_163 = arith.andi %ne3A_162, %ne3A_157 : i1
    %add3A_164 = arith.addi %rem3A_155, %select_n3A_154 : i32
    %select_n3A_165 = arith.select %and3A_163, %add3A_164, %rem3A_155 : i32
    %dma_wait3A = arith.constant 0 : i32
    %dma_wait3A_166 = arith.constant 0 : i32
    %dma_wait3A_167 = arith.constant 0 : i32
    %dma_wait3A_168 = tpu.memref_slice %arg8[%dma_wait3A, %dma_wait3A_166, %dma_wait3A_167] : memref<4x8x137xf32, #tpu.memory_space<vmem>> -> memref<4x8x128xf32, #tpu.memory_space<vmem>>
    %dma_wait3A_169 = arith.constant 0 : i32
    %dma_wait3A_170 = arith.constant 0 : i32
    %dma_wait3A_171 = arith.constant 0 : i32
    %dma_wait3A_172 = tpu.memref_slice %arg4[%select_n3A_149, %dma_wait3A_169, %select_n3A_165, %dma_wait3A_170, %dma_wait3A_171] : memref<50x4x128x8x128xf32, #tpu.memory_space<hbm>> -> memref<1x4x1x8x128xf32, #tpu.memory_space<hbm>>
    %dma_wait3A_173 = tpu.memref_squeeze %dma_wait3A_172 : memref<1x4x1x8x128xf32, #tpu.memory_space<hbm>> -> memref<4x8x128xf32, #tpu.memory_space<hbm>>
    %dma_wait3A_174 = arith.constant 0 : i32
    %dma_wait3A_175 = arith.constant 0 : i32
    %dma_wait3A_176 = arith.constant 0 : i32
    %dma_wait3A_177 = tpu.memref_slice %arg4[%select_n3A_149, %dma_wait3A_174, %select_n3A_165, %dma_wait3A_175, %dma_wait3A_176] : memref<50x4x128x8x128xf32, #tpu.memory_space<hbm>> -> memref<1x4x1x8x128xf32, #tpu.memory_space<hbm>>
    %dma_wait3A_178 = tpu.memref_squeeze %dma_wait3A_177 : memref<1x4x1x8x128xf32, #tpu.memory_space<hbm>> -> memref<4x8x128xf32, #tpu.memory_space<hbm>>
    %dma_wait3A_179 = arith.constant 0 : i32
    %dma_wait3A_180 = arith.constant 0 : i32
    %dma_wait3A_181 = arith.constant 0 : i32
    %dma_wait3A_182 = tpu.memref_slice %arg8[%dma_wait3A_179, %dma_wait3A_180, %dma_wait3A_181] : memref<4x8x137xf32, #tpu.memory_space<vmem>> -> memref<4x8x128xf32, #tpu.memory_space<vmem>>
    tpu.wait_dma2 semaphore(%arg12 : memref<!tpu.dma_semaphore, #tpu.memory_space<semaphore_mem>>) src(%dma_wait3A_182 : memref<4x8x128xf32, #tpu.memory_space<vmem>>) dst(%dma_wait3A_178 : memref<4x8x128xf32, #tpu.memory_space<hbm>>)
    %add3A_183 = arith.constant 199 : i32
    %add3A_184 = arith.addi %mul3A_2, %add3A_183 : i32
    %jit3A_185 = arith.constant 128 : i32
    %div3A_186 = arith.divsi %add3A_184, %jit3A_185 : i32
    %sign3A_187 = arith.constant 0 : i32
    %sign3A_188 = arith.cmpi sgt, %add3A_184, %sign3A_187 : i32
    %sign3A_189 = arith.extui %sign3A_188 : i1 to i32
    %sign3A_190 = arith.constant 0 : i32
    %sign3A_191 = arith.cmpi slt, %add3A_184, %sign3A_190 : i32
    %sign3A_192 = arith.extui %sign3A_191 : i1 to i32
    %sign3A_193 = arith.subi %sign3A_189, %sign3A_192 : i32
    %sign3A_194 = arith.constant 0 : i32
    %sign3A_195 = arith.cmpi sgt, %jit3A_185, %sign3A_194 : i32
    %sign3A_196 = arith.extui %sign3A_195 : i1 to i32
    %sign3A_197 = arith.constant 0 : i32
    %sign3A_198 = arith.cmpi slt, %jit3A_185, %sign3A_197 : i32
    %sign3A_199 = arith.extui %sign3A_198 : i1 to i32
    %sign3A_200 = arith.subi %sign3A_196, %sign3A_199 : i32
    %ne3A_201 = arith.cmpi ne, %sign3A_193, %sign3A_200 : i32
    %rem3A_202 = arith.remsi %add3A_184, %jit3A_185 : i32
    %ne3A_203 = arith.constant 0 : i32
    %ne3A_204 = arith.cmpi ne, %rem3A_202, %ne3A_203 : i32
    %and3A_205 = arith.andi %ne3A_201, %ne3A_204 : i1
    %sub3A_206 = arith.constant 1 : i32
    %sub3A_207 = arith.subi %div3A_186, %sub3A_206 : i32
    %select_n3A_208 = arith.select %and3A_205, %sub3A_207, %div3A_186 : i32
    %jit3A_209 = arith.constant 128 : i32
    %eq3A_210 = arith.constant 0 : i32
    %eq3A_211 = arith.cmpi eq, %jit3A_209, %eq3A_210 : i32
    %jit3A_212 = arith.constant 1 : i32
    %select_n3A_213 = arith.select %eq3A_211, %jit3A_212, %jit3A_209 : i32
    %rem3A_214 = arith.remsi %add3A_184, %select_n3A_213 : i32
    %ne3A_215 = arith.constant 0 : i32
    %ne3A_216 = arith.cmpi ne, %rem3A_214, %ne3A_215 : i32
    %lt3A_217 = arith.constant 0 : i32
    %lt3A_218 = arith.cmpi slt, %rem3A_214, %lt3A_217 : i32
    %lt3A_219 = arith.constant 0 : i32
    %lt3A_220 = arith.cmpi slt, %select_n3A_213, %lt3A_219 : i32
    %ne3A_221 = arith.xori %lt3A_218, %lt3A_220 : i1
    %and3A_222 = arith.andi %ne3A_221, %ne3A_216 : i1
    %add3A_223 = arith.addi %rem3A_214, %select_n3A_213 : i32
    %select_n3A_224 = arith.select %and3A_222, %add3A_223, %rem3A_214 : i32
    %dma_wait3A_225 = arith.constant 0 : i32
    %dma_wait3A_226 = arith.constant 0 : i32
    %dma_wait3A_227 = arith.constant 0 : i32
    %dma_wait3A_228 = tpu.memref_slice %arg9[%dma_wait3A_225, %dma_wait3A_226, %dma_wait3A_227] : memref<4x8x137xf32, #tpu.memory_space<vmem>> -> memref<4x8x128xf32, #tpu.memory_space<vmem>>
    %dma_wait3A_229 = arith.constant 0 : i32
    %dma_wait3A_230 = arith.constant 0 : i32
    %dma_wait3A_231 = arith.constant 0 : i32
    %dma_wait3A_232 = tpu.memref_slice %arg4[%select_n3A_208, %dma_wait3A_229, %select_n3A_224, %dma_wait3A_230, %dma_wait3A_231] : memref<50x4x128x8x128xf32, #tpu.memory_space<hbm>> -> memref<1x4x1x8x128xf32, #tpu.memory_space<hbm>>
    %dma_wait3A_233 = tpu.memref_squeeze %dma_wait3A_232 : memref<1x4x1x8x128xf32, #tpu.memory_space<hbm>> -> memref<4x8x128xf32, #tpu.memory_space<hbm>>
    %dma_wait3A_234 = arith.constant 0 : i32
    %dma_wait3A_235 = arith.constant 0 : i32
    %dma_wait3A_236 = arith.constant 0 : i32
    %dma_wait3A_237 = tpu.memref_slice %arg4[%select_n3A_208, %dma_wait3A_234, %select_n3A_224, %dma_wait3A_235, %dma_wait3A_236] : memref<50x4x128x8x128xf32, #tpu.memory_space<hbm>> -> memref<1x4x1x8x128xf32, #tpu.memory_space<hbm>>
    %dma_wait3A_238 = tpu.memref_squeeze %dma_wait3A_237 : memref<1x4x1x8x128xf32, #tpu.memory_space<hbm>> -> memref<4x8x128xf32, #tpu.memory_space<hbm>>
    %dma_wait3A_239 = arith.constant 0 : i32
    %dma_wait3A_240 = arith.constant 0 : i32
    %dma_wait3A_241 = arith.constant 0 : i32
    %dma_wait3A_242 = tpu.memref_slice %arg9[%dma_wait3A_239, %dma_wait3A_240, %dma_wait3A_241] : memref<4x8x137xf32, #tpu.memory_space<vmem>> -> memref<4x8x128xf32, #tpu.memory_space<vmem>>
    tpu.wait_dma2 semaphore(%arg13 : memref<!tpu.dma_semaphore, #tpu.memory_space<semaphore_mem>>) src(%dma_wait3A_242 : memref<4x8x128xf32, #tpu.memory_space<vmem>>) dst(%dma_wait3A_238 : memref<4x8x128xf32, #tpu.memory_space<hbm>>)
    return
  }
}

</mosaic_0001>

<sc_bundles>
// kernel: _run.3.cloned.1.call-start
scs
__scs_entry_jumppad:
0x0: {  	(pc) =	sbr.rel $0x88, $3  }
0x1: {  	(tag) =	ssettag $0x0;
	lr =	simm.s32 $0x1  }
0x2: {  	[smem:$0x3F9F] =	sst lr;
	_ =	strace $0xD0000000  }
0x3: {  	_ = 	snop  }
0x4: {  	_ = 	snop  }
0x5: {  	_ = 	snop  }
0x6: {  	_ = 	snop  }
0x7: {  	_ = 	snop  }
__scs_overlays_trampoline_lowered:
0x8: {  	[smem:$0x3FAE] =	sst s0  }
0x9: {  	[smem:$0x3FAF] =	sst s1  }
0xa: {  	[smem:$0x3FB0] =	sst s2  }
0xb: {  	[smem:$0x3FB1] =	sst s3  }
0xc: {  	[smem:$0x3FB2] =	sst s4  }
0xd: {  	[smem:$0x3FB3] =	sst s5  }
0xe: {  	[smem:$0x3FB4] =	sst s6  }
0xf: {  	[smem:$0x3FB5] =	sst s7  }
0x10: {  	[smem:$0x3FB6] =	sst s8  }
0x11: {  	[smem:$0x3FB7] =	sst s9;
	s0 =	simm.s32 @!p0 $0x0  }
0x12: {  	s1 =	sld [smem:$0x3F9D];
	s0 =	simm.s32 @p0 $0x1  }
0x13: {  	[smem:$0x3FB8] =	sst s0;
	s0 =	simm.s32 @!p1 $0x0  }
0x14: {  	s2 =	sld [smem:$0x3F9C];
	s0 =	simm.s32 @p1 $0x1  }
0x15: {  	[smem:$0x3FB9] =	sst s0;
	s0 =	simm.s32 @!p2 $0x0  }
0x16: {  	s3 =	sld [smem:$0x3FDB];
	s0 =	simm.s32 @p2 $0x1  }
0x17: {  	s4 =	simm.s32 $0x1BF5;
	[smem:$0x3FBB] =	sst s0  }
0x18: {  	s0 =	sld [smem:$0x3F9E];
	_ =	swait.ge [sflag:s4], $0x0  }
0x19: {  	s7 =	sld [smem:$0x3F9F]  }
0x1a: {  	s8 =	sadd.s32 $0xFFFFE003, lr  }
0x1b: {  	s9 =	sadd.s32 $0xFFFFFEF7, lr;
	s5 =	simm.s32 $0xFFFFFFFF;
	p2 =	slt.u32 s8, $0xFFFFF086  }
0x1c: {  	p1 =	slt.u32 s9, $0xF7A;
	s5 =	simm.s32 @!p2 $0x0  }
0x1d: {  	s5 =	simm.s32 @p1 $0x1;
	p0 =	seq.s32 s7, s2  }
0x1e: {  	s7 =	smul.u32 @!p0 $0xF7A, s2;
	p2 =	seq.s32 @!p0 s5, $0x0  }
0x1f: {  	s9 =	smul.u32 $0xF7A, s1;
	s8 =	simm.s32 @!p0 $0x1BF5;
	p2 =	por !p2, p0  }
0x20: {  	[sflag:s8] =	ssyncset.s32 @!p0 $0xFFFFF086;
	s6 =	sadd.s32 @!p0 s3, s7;
	s7 =	simm.s32 @!p0 $0x108  }
0x21: {  	s3 =	sadd.s32 s3, s9;
	s6 =	sadd.s32 @!p0 $0x88, s6;
	s7 =	simm.s32 @p2 $0x1082  }
0x22: {  	[simem:s7], [sflag:s8] =	dma.local @!p0 [hbm:s6], $0xF7A  }
0x23: {  	s9 =	sor.u32 $0xD0000000, s2;
	s6 =	simm.s32 $0x108;
	_ =	swait.ge @!p0 [sflag:s8], $0x0  }
0x24: {  	s3 =	sadd.s32 $0x88, s3;
	s6 =	simm.s32 @!p1 $0x1082;
	[sflag:s4] =	ssyncset.s32 $0xFFFFF086  }
0x25: {  	[simem:s6], [sflag:s4] =	dma.local [hbm:s3], $0xF7A  }
0x26: {  	[smem:$0x3F9F] =	sst s1;
	(tag) =	ssettag s2;
	_ =	strace s9  }
0x27: {  	s1 =	sld [smem:$0x3FAF]  }
0x28: {  	s2 =	sld [smem:$0x3FB0]  }
0x29: {  	s4 =	sld [smem:$0x3FB2]  }
0x2a: {  	p0 =	seq.s32 s5, $0x0;
	s5 =	sld [smem:$0x3FB3]  }
0x2b: {  	s6 =	sld [smem:$0x3FB4]  }
0x2c: {  	s7 =	sld [smem:$0x3FB5]  }
0x2d: {  	s3 =	simm.s32 $0x108;
	s8 =	sld [smem:$0x3FB6]  }
0x2e: {  	s3 =	simm.s32 @!p0 $0x1082;
	s9 =	sld [smem:$0x3FB7]  }
0x2f: {  	lr =	sadd.s32 s0, s3;
	s0 =	sld [smem:$0x3FAE]  }
0x30: {  	s3 =	sld [smem:$0x3FB1]  }
0x31: {  	[smem:$0x3FBA] =	sst s10  }
0x32: {  	s10 =	sld [smem:$0x3FB8];
	_ =	sdelay $0x3  }
0x33: {  	p0 =	seq.s32 s10, $0x1;
	s10 =	sld [smem:$0x3FBA];
	_ =	sdelay $0x3  }
0x34: {  	[smem:$0x3FBA] =	sst s10  }
0x35: {  	s10 =	sld [smem:$0x3FB9];
	_ =	sdelay $0x3  }
0x36: {  	p1 =	seq.s32 s10, $0x1;
	s10 =	sld [smem:$0x3FBA];
	_ =	sdelay $0x3  }
0x37: {  	[smem:$0x3FBA] =	sst s10  }
0x38: {  	s10 =	sld [smem:$0x3FBB]  }
0x39: {  	_ = 	snop;
	(pc) =	sbr.ind lr, $3  }
0x3a: {  	_ = 	snop  }
0x3b: {  	_ = 	snop  }
0x3c: {  	p2 =	seq.s32 s10, $0x1;
	s10 =	sld [smem:$0x3FBA]  }
0x3d: {  	_ =	shalt  }
0x3e: {  	_ =	shalt  }
0x3f: {  	_ =	shalt  }
0x40: {  	_ =	shalt  }
0x41: {  	_ =	shalt  }
0x42: {  	_ =	shalt  }
0x43: {  	_ =	shalt  }
0x44: {  	_ =	shalt  }
0x45: {  	_ =	shalt  }
0x46: {  	_ =	shalt  }
0x47: {  	_ =	shalt  }
0x48: {  	_ =	shalt  }
0x49: {  	_ =	shalt  }
0x4a: {  	_ =	shalt  }
0x4b: {  	_ =	shalt  }
0x4c: {  	_ =	shalt  }
0x4d: {  	_ =	shalt  }
0x4e: {  	_ =	shalt  }
0x4f: {  	_ =	shalt  }
0x50: {  	_ =	shalt  }
0x51: {  	_ =	shalt  }
0x52: {  	_ =	shalt  }
0x53: {  	_ =	shalt  }
0x54: {  	_ =	shalt  }
0x55: {  	_ =	shalt  }
0x56: {  	_ =	shalt  }
0x57: {  	_ =	shalt  }
0x58: {  	_ =	shalt  }
0x59: {  	_ =	shalt  }
0x5a: {  	_ =	shalt  }
0x5b: {  	_ =	shalt  }
0x5c: {  	_ =	shalt  }
0x5d: {  	_ =	shalt  }
0x5e: {  	_ =	shalt  }
0x5f: {  	_ =	shalt  }
0x60: {  	_ =	shalt  }
0x61: {  	_ =	shalt  }
0x62: {  	_ =	shalt  }
0x63: {  	_ =	shalt  }
0x64: {  	_ =	shalt  }
0x65: {  	_ =	shalt  }
0x66: {  	_ =	shalt  }
0x67: {  	_ =	shalt  }
0x68: {  	_ =	shalt  }
0x69: {  	_ =	shalt  }
0x6a: {  	_ =	shalt  }
0x6b: {  	_ =	shalt  }
0x6c: {  	_ =	shalt  }
0x6d: {  	_ =	shalt  }
0x6e: {  	_ =	shalt  }
0x6f: {  	_ =	shalt  }
0x70: {  	_ =	shalt  }
0x71: {  	_ =	shalt  }
0x72: {  	_ =	shalt  }
0x73: {  	_ =	shalt  }
0x74: {  	_ =	shalt  }
0x75: {  	_ =	shalt  }
0x76: {  	_ =	shalt  }
0x77: {  	_ =	shalt  }
0x78: {  	_ =	shalt  }
0x79: {  	_ =	shalt  }
0x7a: {  	_ =	shalt  }
0x7b: {  	_ =	shalt  }
0x7c: {  	_ =	shalt  }
0x7d: {  	_ =	shalt  }
0x7e: {  	_ =	shalt  }
0x7f: {  	_ =	shalt  }
0x80: {  	_ =	shalt  }
0x81: {  	_ =	shalt  }
0x82: {  	_ =	shalt  }
0x83: {  	_ =	shalt  }
0x84: {  	_ =	shalt  }
0x85: {  	_ =	shalt  }
0x86: {  	_ =	shalt  }
0x87: {  	_ =	shalt  }
.Lfunc_end0:
.L_simem_size_0:
called_computation_lowered:
.L_overlay_start_0:
0x88: {  	s2 =	sld [smem:$0x3FD9]  }
0x89: {  	s3 =	sld [smem:$0x3FFE];
	_ =	sdelay $0x1  }
0x8a: {  	s1 =	srdreg.scid  }
0x8b: {  	s0 =	sand.u32 $0x1, s1  }
0x8c: {  	s17 =	sshll.u32 s0, $0xA;
	s2 =	sadd.s32 s3, s2  }
0x8d: {  	s2 =	sadd.s32 s2, s17  }
0x8e: {  	[smem:$0x3FC6] =	sst s2  }
0x8f: {  	_ = 	snop  }
0x90: {  	s2 =	sld [smem:$0x3FC9]  }
0x91: {  	s18 =	sld [smem:$0x3FD0];
	(tm) =	ssettm $0x1  }
0x92: {  	s4 =	sld [smem:$0x3FFB];
	_ =	sdelay $0x3  }
0x93: {  	_ =	strace s4  }
0x94: {  	s4 =	sld [smem:$0x3FFC];
	_ =	sdelay $0x3  }
0x95: {  	_ =	strace s4  }
0x96: {  	s4 =	sld [smem:$0x3FFD];
	_ =	sdelay $0x3  }
0x97: {  	_ =	strace s4  }
0x98: {  	_ =	strace $0x8FFFFFFF  }
0x99: {  	s19 =	sld [smem:$0x3FDB];
	_ =	sdelay $0x1  }
0x9a: {  	s5 =	simm.s32 $_scs_section_size  }
0x9b: {  	s6 =	simm.s32 $_size__tile_overlayer_lowered;
	s7 =	simm.s32 $_tile_overlayer_lowered  }
0x9c: {  	s22 =	simm.s32 $0x1BFF;
	s21 =	sshll.u32 s7, $0x1;
	s4 =	sadd.s32 s5, s19  }
0x9d: {  	s8 =	simm.s32 $0x0;
	s20 =	sshll.u32 s6, $0x1;
	s6 =	sadd.s32 s21, s4  }
0x9e: {  	[timem:s8], [sflag:s22] =	dma.local [hbm:s6], s20  }
0x9f: {  	_ =	swait.ge [sflag:s22], s20  }
0xa0: {  	s5 =	ssub.s32 $0x0, s20;
	[sflag:s22] =	ssyncset.done $0x0  }
0xa1: {  	[sflag:s22] =	ssyncadd.s32 s5;
	_ =	sdelay $0x1  }
0xa2: {  	s23 =	simm.s32 $0x1B8B  }
0xa3: {  	_ =	swait.ge [sflag:s23], $0x1  }
0xa4: {  	[sflag:s23] =	ssyncset.done $0x0  }
0xa5: {  	s25 =	simm.s32 $0x1B8E;
	s24 =	sld [smem:$0x3FFE];
	[sflag:s23] =	ssyncadd.s32 $0xFFFFFFFF  }
0xa6: {  	s26 =	simm.s32 $execute0_lowered;
	[smem:$0x3FD2] =	sst s25  }
0xa7: {  	s6 =	sshll.u32 s26, $0x1;
	_ =	strace $0x80000046;
	[dreg:$0x1] =	wrdreg $0xFFFFFFFF  }
0xa8: {  	s28 =	simm.s32 $_size_execute0_lowered;
	s4 =	sadd.s32 s4, s6;
	[dreg:$0x0] =	wrdreg $0x0  }
0xa9: {  	s6 =	sshll.u32 s28, $0x1;
	[dreg:$0x2] =	wrdreg s4  }
0xaa: {  	[dreg:$0x3] =	wrdreg s6  }
0xab: {  	[dreg:$0x4] =	wrdreg $0xC0  }
0xac: {  	_ =	task [dreg:s8], $0x5FFFF  }
0xad: {  	[dreg:$0x1] =	wrdreg $0xFFFFFFFF  }
0xae: {  	[dreg:$0x0] =	wrdreg $0x60  }
0xaf: {  	[dreg:$0x2] =	wrdreg s2  }
0xb0: {  	[dreg:$0x3] =	wrdreg s24  }
0xb1: {  	[dreg:$0x4] =	wrdreg s18  }
0xb2: {  	[dreg:$0x5] =	wrdreg $0x9  }
0xb3: {  	_ =	task.clear_ibuf [dreg:s8], $0x6FFFF;
	_ =	strace $0x90000046  }
0xb4: {  	s29 =	simm.s32 $0x9;
	_ =	strace $0x80000048  }
0xb5: {  	_ =	swait.ge [sflag:s29], $0x1  }
0xb6: {  	[sflag:s29] =	ssyncadd.s32 $0xFFFFFFFF  }
0xb7: {  	_ =	strace $0x90000048  }
0xb8: {  	_ =	sfence  }
0xb9: {  	s30 =	sld [smem:$0x0];
	_ =	sdelay $0x2  }
0xba: {  	s31 =	sshll.u32 s1, $0xD;
	s1 =	sshrl.u32 s1, $0x2  }
0xbb: {  	s3 =	sand.u32 $0x4000, s31;
	s1 =	sadd.s32 s1, s30  }
0xbc: {  	s0 =	sor.u32 s3, s0;
	s1 =	sshll.u32 s1, $0x11  }
0xbd: {  	s0 =	sor.u32 s1, s0  }
0xbe: {  	s0 =	sadd.s32 $0x8F2B, s0  }
0xbf: {  	[sflag:s0] =	ssyncadd.remote.s32 $0x1  }
0xc0: {  	_ =	sfence.sel $0xFFFF  }
0xc1: {  	[dreg:$0x0] =	wrdreg $0xFFFFFFFF;
	(pc) =	sbr.abs _section_cstart, $3  }
0xc2: {  	[dreg:$0x1] =	wrdreg $0xFFFFFFFF  }
0xc3: {  	_ =	task.clear_ibuf [dreg:s8], $0x2FFFF;
	_ =	strace $0x9FFFFFFF  }
0xc4: {  	(tm) =	ssettm $0x7FFFFFFF  }
0xc5: {  	_ =	shalt  }
tec
execute0_lowered:
.L_overlay_start_1:
0x0: {  	(tag) =	ssettag $0x1  }
0x1: {  	s0 =	rddreg [dreg:$0x0]  }
0x2: {  	s1 =	rddreg [dreg:$0x1]  }
0x3: {  	s2 =	rddreg [dreg:$0x2]  }
0x4: {  	s4 =	srdreg.scid;
	s5 =	stileid.u32  }
0x5: {  	s3 =	simm.s32 $0x0;
	s9 =	simm.s32 $0x80;
	s12 =	simm.s32 $0x1  }
0x6: {  	s13 =	simm.s32 $0x8400;
	s21 =	simm.s32 $0x2;
	s22 =	simm.s32 $0x4  }
0x7: {  	s23 =	simm.s32 $0x9600;
	s16 =	simm.s32 $0x9F90;
	s17 =	simm.s32 $0xA020  }
0x8: {  	s18 =	simm.s32 $0xA0B0;
	s19 =	simm.s32 $0xA140;
	s20 =	simm.s32 $0xA1D0  }
0x9: {  	s24 =	simm.s32 $0xA260;
	s28 =	simm.s32 $0xA410;
	s29 =	simm.s32 $0xA4A0  }
0xa: {  	v0 =	vlaneseq.u32;
	s30 =	simm.s32 $0xA530;
	s4 =	sand.u32 $0x1, s4;
	s5 =	sshll.u32 s5, $0x1  }
0xb: {  	v1 =	vimm.s32 $0x0;
	vm0 =	vcmask $0x300;
	s31 =	simm.s32 $0xA5C0;
	[smem:$0x7FF] =	sst s3;
	v0 =	vmul.u32 $0x90, v0;
	s5 =	sor.u32 s4, s5  }
0xc: {  	v1 =	vsel vm0, $0x3, v1;
	s6 =	ssub.s32 $0x2, s4;
	_ =	strace $0x80000047;
	s8 =	smul.u32 $0xC80, s5  }
.Ltmp0:
0xd: {  	s4 =	sadd.s32 $0xF42800, s1;
	s7 =	sshrl.u32 s6, $0x1;
	v2 =	vadd.s32 $0x900, v0;
	v3 =	vor.u32 $0x1, v0;
	v4 =	vadd.s32 $0x901, v0;
	(pc) =	sbr.rel .LBB2_1-.Ltmp0, $4  }
0xe: {  	s1 =	simm.s32 $0xA6E0;
	s5 =	smul.u32 $0xC8, s5;
	v5 =	vor.u32 $0x2, v0;
	v6 =	vadd.s32 $0x902, v0;
	v7 =	vor.u32 $0x3, v0;
	s25 =	ssub.s32 s6, s7  }
0xf: {  	v8 =	vadd.s32 $0x903, v0;
	v9 =	vor.u32 $0x4, v0;
	v10 =	vadd.s32 $0x904, v0;
	s6 =	simm.s32 $0xA770;
	s0 =	sadd.s32 s0, s8;
	s26 =	smax.u32 s25, $0x1  }
0x10: {  	v11 =	vor.u32 $0x5, v0;
	v12 =	vadd.s32 $0x905, v0;
	v13 =	vor.u32 $0x6, v0;
	s25 =	simm.s32 $0xA2F0;
	s8 =	simm.s32 $0x0;
	[dreg:$0x4] =	wrdreg s0  }
0x11: {  	v14 =	vadd.s32 $0x906, v0;
	v15 =	vor.u32 $0x7, v0;
	v16 =	vadd.s32 $0x907, v0;
	[dreg:$0x5] =	wrdreg s26;
	s26 =	simm.s32 $0xA380;
	s0 =	simm.s32 $0xA650  }
.LBB2_12:
0x12: {  	s7 =	simm.s32 $0x3  }
0x13: {  	_ =	swait.ge [sflag:s7], $0x1000  }
0x14: {  	[sflag:s7] =	ssyncset.done $0x0  }
0x15: {  	[sflag:s7] =	ssyncadd.s32 $0xFFFFF000  }
0x16: {  	_ =	swait.ge [sflag:s22], $0x1000  }
0x17: {  	s8 =	rddreg [dreg:$0x6]  }
0x18: {  	s15 =	rddreg [dreg:$0x5];
	s8 =	sadd.s32 $0x1, s8  }
0x19: {  	p0 =	sne.s32 s8, s15  }
.Ltmp1:
0x1a: {  	_ = 	snop;
	(pc) =	sbr.rel @!p0 .LBB2_13-.Ltmp1, $3  }
0x1b: {  	_ =	sdelay $0x1  }
0x1c: {  	[sflag:s22] =	ssyncset.done $0x0  }
0x1d: {  	[sflag:s22] =	ssyncadd.s32 $0xFFFFF000  }
.LBB2_1:
0x1e: {  	[dreg:$0x6] =	wrdreg s8  }
0x1f: {  	s7 =	rddreg [dreg:$0x4];
	s11 =	simm.s32 $0x5  }
0x20: {  	[tilespmem:s3], [sflag:$0x5] =	stream.linear.gather [hbm4b:s7+s3], $0x6400, $0x38;
	[tilespmem:$0xA800] =	vst v63  }
0x21: {  	_ =	swait.ge [sflag:s11], $0x6400  }
0x22: {  	[sflag:s11] =	ssyncset.done $0x0  }
0x23: {  	s14 =	simm.s32 $0x6400;
	[sflag:s11] =	ssyncadd.s32 $0xFFFF9C00  }
0x24: {  	[tilespmem:s14], [sflag:$0x1] =	stream.indirect.gather [hbm4b:s4+s9], $0x20, s3, s9, $0xb8;
	[tilespmem:$0xA800] =	vst v63  }
0x25: {  	s15 =	simm.s32 $0x7400;
	s7 =	simm.s32 $0x0  }
0x26: {  	[tilespmem:s15], [sflag:$0x2] =	stream.indirect.gather [hbm4b:s4+s9], $0x20, s9, s9, $0xb8;
	[tilespmem:$0xA800] =	vst v63  }
.LBB2_2:
0x27: {  	_ =	swait.ge [sflag:s12], $0x1000;
	s8 =	simm.s32 $0x0  }
0x28: {  	p0 =	seq.s32 s7, $0x0;
	[sflag:s12] =	ssyncset.done $0x0;
	v17 =	vmov s8  }
0x29: {  	s8 =	simm.s32 @!p0 $0x3;
	[sflag:s12] =	ssyncadd.s32 $0xFFFFF000;
	v17 =	vshrl.u32 v17, $0x3  }
0x2a: {  	_ =	swait.ge @!p0 [sflag:s8], $0x1000;
	v17 =	vshll.u32 v17, v1  }
0x2b: {  	[sflag:s8] =	ssyncset.done @!p0 $0x0;
	v17 =	vbroadcast v17, $0x0  }
0x2c: {  	s10 =	simm.s32 $0x6480;
	[sflag:s8] =	ssyncadd.s32 @!p0 $0xFFFFF000  }
0x2d: {  	v18 =	vld [tilespmem:s10+$0xFFFFFF80];
	v19 =	vadd.s32 v0, v17;
	_ =	sdelay $0x4  }
0x2e: {  	[tilespmem:v19+s13+$0x0] =	vst.idx.msk $0xffff, v18  }
0x2f: {  	s15 =	simm.s32 $0x1;
	v17 =	vadd.s32 v2, v17;
	v18 =	vld [tilespmem:s10+$0xFFFFFF90]  }
0x30: {  	v19 =	vmov s15  }
0x31: {  	v19 =	vshrl.u32 v19, $0x3  }
0x32: {  	v19 =	vshll.u32 v19, v1  }
0x33: {  	v19 =	vbroadcast v19, $0x0  }
0x34: {  	[tilespmem:v17+s13+$0x0] =	vst.idx.msk $0xffff, v18  }
0x35: {  	v18 =	vadd.s32 v3, v19;
	v17 =	vld [tilespmem:s10+$0xFFFFFFA0];
	_ =	sdelay $0x4  }
0x36: {  	[tilespmem:v18+s13+$0x0] =	vst.idx.msk $0xffff, v17  }
0x37: {  	s11 =	simm.s32 $0x2;
	v18 =	vadd.s32 v4, v19;
	v17 =	vld [tilespmem:s10+$0xFFFFFFB0]  }
0x38: {  	v19 =	vmov s11  }
0x39: {  	v19 =	vshrl.u32 v19, $0x3  }
0x3a: {  	v19 =	vshll.u32 v19, v1  }
0x3b: {  	v19 =	vbroadcast v19, $0x0  }
0x3c: {  	[tilespmem:v18+s13+$0x0] =	vst.idx.msk $0xffff, v17  }
0x3d: {  	v18 =	vadd.s32 v5, v19;
	v17 =	vld [tilespmem:s10+$0xFFFFFFC0];
	_ =	sdelay $0x4  }
0x3e: {  	[tilespmem:v18+s13+$0x0] =	vst.idx.msk $0xffff, v17  }
0x3f: {  	s14 =	simm.s32 $0x3;
	v18 =	vadd.s32 v6, v19;
	v17 =	vld [tilespmem:s10+$0xFFFFFFD0]  }
0x40: {  	v19 =	vmov s14  }
0x41: {  	v19 =	vshrl.u32 v19, $0x3  }
0x42: {  	v19 =	vshll.u32 v19, v1  }
0x43: {  	v19 =	vbroadcast v19, $0x0  }
0x44: {  	[tilespmem:v18+s13+$0x0] =	vst.idx.msk $0xffff, v17  }
0x45: {  	v18 =	vadd.s32 v7, v19;
	v17 =	vld [tilespmem:s10+$0xFFFFFFE0];
	_ =	sdelay $0x4  }
0x46: {  	[tilespmem:v18+s13+$0x0] =	vst.idx.msk $0xffff, v17  }
0x47: {  	s15 =	simm.s32 $0x4;
	v18 =	vadd.s32 v8, v19;
	v17 =	vld [tilespmem:s10+$0xFFFFFFF0]  }
0x48: {  	v19 =	vmov s15  }
0x49: {  	v19 =	vshrl.u32 v19, $0x3  }
0x4a: {  	v19 =	vshll.u32 v19, v1  }
0x4b: {  	v19 =	vbroadcast v19, $0x0  }
0x4c: {  	[tilespmem:v18+s13+$0x0] =	vst.idx.msk $0xffff, v17  }
0x4d: {  	v18 =	vadd.s32 v9, v19;
	v17 =	vld [tilespmem:s10+$0x0];
	_ =	sdelay $0x4  }
0x4e: {  	[tilespmem:v18+s13+$0x0] =	vst.idx.msk $0xffff, v17  }
0x4f: {  	s11 =	simm.s32 $0x5;
	v18 =	vadd.s32 v10, v19;
	v17 =	vld [tilespmem:s10+$0x10]  }
0x50: {  	v19 =	vmov s11  }
0x51: {  	v19 =	vshrl.u32 v19, $0x3  }
0x52: {  	v19 =	vshll.u32 v19, v1  }
0x53: {  	v19 =	vbroadcast v19, $0x0  }
0x54: {  	[tilespmem:v18+s13+$0x0] =	vst.idx.msk $0xffff, v17  }
0x55: {  	v18 =	vadd.s32 v11, v19;
	v17 =	vld [tilespmem:s10+$0x20];
	_ =	sdelay $0x4  }
0x56: {  	[tilespmem:v18+s13+$0x0] =	vst.idx.msk $0xffff, v17  }
0x57: {  	s14 =	simm.s32 $0x6;
	v18 =	vadd.s32 v12, v19;
	v17 =	vld [tilespmem:s10+$0x30]  }
0x58: {  	v19 =	vmov s14  }
0x59: {  	v19 =	vshrl.u32 v19, $0x3  }
0x5a: {  	v19 =	vshll.u32 v19, v1  }
0x5b: {  	v19 =	vbroadcast v19, $0x0  }
0x5c: {  	[tilespmem:v18+s13+$0x0] =	vst.idx.msk $0xffff, v17  }
0x5d: {  	v18 =	vadd.s32 v13, v19;
	v17 =	vld [tilespmem:s10+$0x40];
	_ =	sdelay $0x4  }
0x5e: {  	[tilespmem:v18+s13+$0x0] =	vst.idx.msk $0xffff, v17  }
0x5f: {  	s15 =	simm.s32 $0x7;
	v18 =	vadd.s32 v14, v19;
	v17 =	vld [tilespmem:s10+$0x50]  }
0x60: {  	v19 =	vmov s15  }
0x61: {  	v19 =	vshrl.u32 v19, $0x3  }
0x62: {  	v19 =	vshll.u32 v19, v1  }
0x63: {  	v19 =	vbroadcast v19, $0x0  }
0x64: {  	[tilespmem:v18+s13+$0x0] =	vst.idx.msk $0xffff, v17  }
0x65: {  	v18 =	vadd.s32 v15, v19;
	v17 =	vld [tilespmem:s10+$0x60];
	_ =	sdelay $0x4  }
0x66: {  	s8 =	sshll.u32 s7, $0x1;
	[tilespmem:v18+s13+$0x0] =	vst.idx.msk $0xffff, v17  }
0x67: {  	s11 =	simm.s32 $0xF;
	s14 =	simm.s32 $0x17;
	s15 =	simm.s32 $0x8;
	v18 =	vadd.s32 v16, v19;
	v17 =	vld [tilespmem:s10+$0x70]  }
.LBB2_3:
0x68: {  	p1 =	sne.s32 s14, $0x7F;
	v19 =	vmov s15  }
0x69: {  	v19 =	vshrl.u32 v19, $0x3  }
0x6a: {  	v19 =	vshll.u32 v19, v1  }
0x6b: {  	v19 =	vbroadcast v19, $0x0  }
0x6c: {  	s10 =	sadd.s32 $0x100, s10;
	[tilespmem:v18+s13+$0x0] =	vst.idx.msk $0xffff, v17  }
0x6d: {  	v17 =	vld [tilespmem:s10+$0xFFFFFF80];
	v18 =	vadd.s32 v0, v19;
	_ =	sdelay $0x4  }
0x6e: {  	[tilespmem:v18+s13+$0x0] =	vst.idx.msk $0xffff, v17  }
0x6f: {  	s15 =	sadd.s32 $0xFFFFFFFA, s11;
	v18 =	vadd.s32 v2, v19;
	v17 =	vld [tilespmem:s10+$0xFFFFFF90]  }
0x70: {  	v19 =	vmov s15  }
0x71: {  	v19 =	vshrl.u32 v19, $0x3  }
0x72: {  	v19 =	vshll.u32 v19, v1  }
0x73: {  	v19 =	vbroadcast v19, $0x0  }
0x74: {  	[tilespmem:v18+s13+$0x0] =	vst.idx.msk $0xffff, v17  }
0x75: {  	v18 =	vadd.s32 v3, v19;
	v17 =	vld [tilespmem:s10+$0xFFFFFFA0];
	_ =	sdelay $0x4  }
0x76: {  	[tilespmem:v18+s13+$0x0] =	vst.idx.msk $0xffff, v17  }
0x77: {  	s15 =	sadd.s32 $0xFFFFFFFB, s11;
	v18 =	vadd.s32 v4, v19;
	v17 =	vld [tilespmem:s10+$0xFFFFFFB0]  }
0x78: {  	v19 =	vmov s15  }
0x79: {  	v19 =	vshrl.u32 v19, $0x3  }
0x7a: {  	v19 =	vshll.u32 v19, v1  }
0x7b: {  	v19 =	vbroadcast v19, $0x0  }
0x7c: {  	[tilespmem:v18+s13+$0x0] =	vst.idx.msk $0xffff, v17  }
0x7d: {  	v18 =	vadd.s32 v5, v19;
	v17 =	vld [tilespmem:s10+$0xFFFFFFC0];
	_ =	sdelay $0x4  }
0x7e: {  	[tilespmem:v18+s13+$0x0] =	vst.idx.msk $0xffff, v17  }
0x7f: {  	s15 =	sadd.s32 $0xFFFFFFFC, s11;
	v18 =	vadd.s32 v6, v19;
	v17 =	vld [tilespmem:s10+$0xFFFFFFD0]  }
0x80: {  	v19 =	vmov s15  }
0x81: {  	v19 =	vshrl.u32 v19, $0x3  }
0x82: {  	v19 =	vshll.u32 v19, v1  }
0x83: {  	v19 =	vbroadcast v19, $0x0  }
0x84: {  	[tilespmem:v18+s13+$0x0] =	vst.idx.msk $0xffff, v17  }
0x85: {  	v18 =	vadd.s32 v7, v19;
	v17 =	vld [tilespmem:s10+$0xFFFFFFE0];
	_ =	sdelay $0x4  }
0x86: {  	[tilespmem:v18+s13+$0x0] =	vst.idx.msk $0xffff, v17  }
0x87: {  	s15 =	sadd.s32 $0xFFFFFFFD, s11;
	v18 =	vadd.s32 v8, v19;
	v17 =	vld [tilespmem:s10+$0xFFFFFFF0]  }
0x88: {  	v19 =	vmov s15  }
0x89: {  	v19 =	vshrl.u32 v19, $0x3  }
0x8a: {  	v19 =	vshll.u32 v19, v1  }
0x8b: {  	v19 =	vbroadcast v19, $0x0  }
0x8c: {  	[tilespmem:v18+s13+$0x0] =	vst.idx.msk $0xffff, v17  }
0x8d: {  	v18 =	vadd.s32 v9, v19;
	v17 =	vld [tilespmem:s10+$0x0];
	_ =	sdelay $0x4  }
0x8e: {  	[tilespmem:v18+s13+$0x0] =	vst.idx.msk $0xffff, v17  }
0x8f: {  	s15 =	sadd.s32 $0xFFFFFFFE, s11;
	v18 =	vadd.s32 v10, v19;
	v17 =	vld [tilespmem:s10+$0x10]  }
0x90: {  	v19 =	vmov s15  }
0x91: {  	v19 =	vshrl.u32 v19, $0x3  }
0x92: {  	v19 =	vshll.u32 v19, v1  }
0x93: {  	v19 =	vbroadcast v19, $0x0  }
0x94: {  	[tilespmem:v18+s13+$0x0] =	vst.idx.msk $0xffff, v17  }
0x95: {  	v18 =	vadd.s32 v11, v19;
	v17 =	vld [tilespmem:s10+$0x20];
	_ =	sdelay $0x4  }
0x96: {  	[tilespmem:v18+s13+$0x0] =	vst.idx.msk $0xffff, v17  }
0x97: {  	s15 =	sadd.s32 $0xFFFFFFFF, s11;
	v18 =	vadd.s32 v12, v19;
	v17 =	vld [tilespmem:s10+$0x30]  }
0x98: {  	v19 =	vmov s15  }
0x99: {  	v19 =	vshrl.u32 v19, $0x3  }
0x9a: {  	v19 =	vshll.u32 v19, v1  }
0x9b: {  	v19 =	vbroadcast v19, $0x0  }
0x9c: {  	[tilespmem:v18+s13+$0x0] =	vst.idx.msk $0xffff, v17  }
0x9d: {  	v18 =	vadd.s32 v13, v19;
	v17 =	vld [tilespmem:s10+$0x40];
	_ =	sdelay $0x4  }
0x9e: {  	[tilespmem:v18+s13+$0x0] =	vst.idx.msk $0xffff, v17  }
0x9f: {  	v18 =	vadd.s32 v14, v19;
	v17 =	vld [tilespmem:s10+$0x50]  }
0xa0: {  	v19 =	vmov s11;
	s11 =	smov.u32 s14  }
0xa1: {  	v19 =	vshrl.u32 v19, $0x3  }
0xa2: {  	v19 =	vshll.u32 v19, v1  }
0xa3: {  	v19 =	vbroadcast v19, $0x0  }
0xa4: {  	[tilespmem:v18+s13+$0x0] =	vst.idx.msk $0xffff, v17  }
0xa5: {  	v18 =	vadd.s32 v15, v19;
	v17 =	vld [tilespmem:s10+$0x60];
	_ =	sdelay $0x1  }
.Ltmp2:
0xa6: {  	(pc) =	sbr.rel @p1 .LBB2_3-.Ltmp2, $3  }
0xa7: {  	_ =	sdelay $0x1  }
0xa8: {  	[tilespmem:v18+s13+$0x0] =	vst.idx.msk $0xffff, v17  }
0xa9: {  	s14 =	sadd.s32 $0x8, s14;
	s15 =	sadd.s32 $0xFFFFFFF9, s11;
	v18 =	vadd.s32 v16, v19;
	v17 =	vld [tilespmem:s10+$0x70]  }
0xaa: {  	v19 =	vmov s15  }
0xab: {  	v19 =	vshrl.u32 v19, $0x3  }
0xac: {  	v19 =	vshll.u32 v19, v1  }
0xad: {  	v19 =	vbroadcast v19, $0x0  }
0xae: {  	s10 =	sadd.s32 $0x100, s10;
	[tilespmem:v18+s13+$0x0] =	vst.idx.msk $0xffff, v17  }
0xaf: {  	v17 =	vld [tilespmem:s10+$0xFFFFFF80];
	v18 =	vadd.s32 v0, v19;
	_ =	sdelay $0x4  }
0xb0: {  	[tilespmem:v18+s13+$0x0] =	vst.idx.msk $0xffff, v17  }
0xb1: {  	s14 =	sadd.s32 $0xFFFFFFFA, s11;
	v18 =	vadd.s32 v2, v19;
	v17 =	vld [tilespmem:s10+$0xFFFFFF90]  }
0xb2: {  	v19 =	vmov s14  }
0xb3: {  	v19 =	vshrl.u32 v19, $0x3  }
0xb4: {  	v19 =	vshll.u32 v19, v1  }
0xb5: {  	v19 =	vbroadcast v19, $0x0  }
0xb6: {  	[tilespmem:v18+s13+$0x0] =	vst.idx.msk $0xffff, v17  }
0xb7: {  	v18 =	vadd.s32 v3, v19;
	v17 =	vld [tilespmem:s10+$0xFFFFFFA0];
	_ =	sdelay $0x4  }
0xb8: {  	[tilespmem:v18+s13+$0x0] =	vst.idx.msk $0xffff, v17  }
0xb9: {  	s15 =	sadd.s32 $0xFFFFFFFB, s11;
	v18 =	vadd.s32 v4, v19;
	v17 =	vld [tilespmem:s10+$0xFFFFFFB0]  }
0xba: {  	v19 =	vmov s15  }
0xbb: {  	v19 =	vshrl.u32 v19, $0x3  }
0xbc: {  	v19 =	vshll.u32 v19, v1  }
0xbd: {  	v19 =	vbroadcast v19, $0x0  }
0xbe: {  	[tilespmem:v18+s13+$0x0] =	vst.idx.msk $0xffff, v17  }
0xbf: {  	v18 =	vadd.s32 v5, v19;
	v17 =	vld [tilespmem:s10+$0xFFFFFFC0];
	_ =	sdelay $0x4  }
0xc0: {  	[tilespmem:v18+s13+$0x0] =	vst.idx.msk $0xffff, v17  }
0xc1: {  	s15 =	sadd.s32 $0xFFFFFFFC, s11;
	v18 =	vadd.s32 v6, v19;
	v17 =	vld [tilespmem:s10+$0xFFFFFFD0]  }
0xc2: {  	v19 =	vmov s15  }
0xc3: {  	v19 =	vshrl.u32 v19, $0x3  }
0xc4: {  	v19 =	vshll.u32 v19, v1  }
0xc5: {  	v19 =	vbroadcast v19, $0x0  }
0xc6: {  	[tilespmem:v18+s13+$0x0] =	vst.idx.msk $0xffff, v17  }
0xc7: {  	v18 =	vadd.s32 v7, v19;
	v17 =	vld [tilespmem:s10+$0xFFFFFFE0];
	_ =	sdelay $0x4  }
0xc8: {  	[tilespmem:v18+s13+$0x0] =	vst.idx.msk $0xffff, v17  }
0xc9: {  	s15 =	sadd.s32 $0xFFFFFFFD, s11;
	v18 =	vadd.s32 v8, v19;
	v17 =	vld [tilespmem:s10+$0xFFFFFFF0]  }
0xca: {  	v19 =	vmov s15  }
0xcb: {  	v19 =	vshrl.u32 v19, $0x3  }
0xcc: {  	v19 =	vshll.u32 v19, v1  }
0xcd: {  	v19 =	vbroadcast v19, $0x0  }
0xce: {  	[tilespmem:v18+s13+$0x0] =	vst.idx.msk $0xffff, v17  }
0xcf: {  	v18 =	vadd.s32 v9, v19;
	v17 =	vld [tilespmem:s10+$0x0];
	_ =	sdelay $0x4  }
0xd0: {  	[tilespmem:v18+s13+$0x0] =	vst.idx.msk $0xffff, v17  }
0xd1: {  	s15 =	sadd.s32 $0xFFFFFFFE, s11;
	v18 =	vadd.s32 v10, v19;
	v17 =	vld [tilespmem:s10+$0x10]  }
0xd2: {  	v19 =	vmov s15  }
0xd3: {  	v19 =	vshrl.u32 v19, $0x3  }
0xd4: {  	v19 =	vshll.u32 v19, v1  }
0xd5: {  	v19 =	vbroadcast v19, $0x0  }
0xd6: {  	[tilespmem:v18+s13+$0x0] =	vst.idx.msk $0xffff, v17  }
0xd7: {  	v18 =	vadd.s32 v11, v19;
	v17 =	vld [tilespmem:s10+$0x20];
	_ =	sdelay $0x4  }
0xd8: {  	[tilespmem:v18+s13+$0x0] =	vst.idx.msk $0xffff, v17  }
0xd9: {  	s15 =	sadd.s32 $0xFFFFFFFF, s11;
	v18 =	vadd.s32 v12, v19;
	v17 =	vld [tilespmem:s10+$0x30]  }
0xda: {  	v19 =	vmov s15  }
0xdb: {  	v19 =	vshrl.u32 v19, $0x3  }
0xdc: {  	v19 =	vshll.u32 v19, v1  }
0xdd: {  	v19 =	vbroadcast v19, $0x0  }
0xde: {  	[tilespmem:v18+s13+$0x0] =	vst.idx.msk $0xffff, v17  }
0xdf: {  	v18 =	vadd.s32 v13, v19;
	v17 =	vld [tilespmem:s10+$0x40];
	_ =	sdelay $0x4  }
0xe0: {  	[tilespmem:v18+s13+$0x0] =	vst.idx.msk $0xffff, v17  }
0xe1: {  	v18 =	vadd.s32 v14, v19;
	v17 =	vld [tilespmem:s10+$0x50]  }
0xe2: {  	v19 =	vmov s11  }
0xe3: {  	v19 =	vshrl.u32 v19, $0x3  }
0xe4: {  	v19 =	vshll.u32 v19, v1  }
0xe5: {  	v19 =	vbroadcast v19, $0x0  }
0xe6: {  	[tilespmem:v18+s13+$0x0] =	vst.idx.msk $0xffff, v17  }
0xe7: {  	v18 =	vadd.s32 v15, v19;
	v17 =	vld [tilespmem:s10+$0x60];
	_ =	sdelay $0x4  }
0xe8: {  	[tilespmem:v18+s13+$0x0] =	vst.idx.msk $0xffff, v17  }
0xe9: {  	v18 =	vadd.s32 v16, v19;
	v17 =	vld [tilespmem:s10+$0x70]  }
0xea: {  	s11 =	sadd.s32 s5, s8  }
0xeb: {  	s14 =	sshll.u32 s11, $0x7  }
0xec: {  	s10 =	sshll.u32 s11, $0x9;
	s11 =	sand.u32 $0x3F00, s14  }
0xed: {  	s10 =	sand.u32 $0xFFF0000, s10;
	s11 =	sadd.s32 s2, s11  }
0xee: {  	s10 =	sadd.s32 s10, s11;
	[tilespmem:v18+s13+$0x0] =	vst.idx.msk $0xffff, v17  }
0xef: {  	[hbm4b:s10+s3] =	stream.linear.scatter [tilespmem:s13], [sflag:$0x3], $0x80, $0x38;
	[tilespmem:$0xA800] =	vst v63  }
0xf0: {  	s15 =	simm.s32 $0x8490;
	s11 =	sadd.s32 $0x10, s10  }
0xf1: {  	[hbm4b:s11+s3] =	stream.linear.scatter [tilespmem:s15], [sflag:$0x3], $0x80, $0x38;
	[tilespmem:$0xA800] =	vst v63  }
0xf2: {  	s14 =	sadd.s32 $0x20, s10;
	s15 =	simm.s32 $0x8520  }
0xf3: {  	[hbm4b:s14+s3] =	stream.linear.scatter [tilespmem:s15], [sflag:$0x3], $0x80, $0x38;
	[tilespmem:$0xA800] =	vst v63  }
0xf4: {  	s14 =	sadd.s32 $0x30, s10;
	s15 =	simm.s32 $0x85B0  }
0xf5: {  	[hbm4b:s14+s3] =	stream.linear.scatter [tilespmem:s15], [sflag:$0x3], $0x80, $0x38;
	[tilespmem:$0xA800] =	vst v63  }
0xf6: {  	s14 =	sadd.s32 $0x40, s10;
	s15 =	simm.s32 $0x8640  }
0xf7: {  	[hbm4b:s14+s3] =	stream.linear.scatter [tilespmem:s15], [sflag:$0x3], $0x80, $0x38;
	[tilespmem:$0xA800] =	vst v63  }
0xf8: {  	s14 =	sadd.s32 $0x50, s10;
	s15 =	simm.s32 $0x86D0  }
0xf9: {  	[hbm4b:s14+s3] =	stream.linear.scatter [tilespmem:s15], [sflag:$0x3], $0x80, $0x38;
	[tilespmem:$0xA800] =	vst v63  }
0xfa: {  	s14 =	sadd.s32 $0x60, s10;
	s15 =	simm.s32 $0x8760  }
0xfb: {  	[hbm4b:s14+s3] =	stream.linear.scatter [tilespmem:s15], [sflag:$0x3], $0x80, $0x38;
	[tilespmem:$0xA800] =	vst v63  }
0xfc: {  	s14 =	sadd.s32 $0x70, s10;
	s15 =	simm.s32 $0x87F0  }
0xfd: {  	[hbm4b:s14+s3] =	stream.linear.scatter [tilespmem:s15], [sflag:$0x3], $0x80, $0x38;
	[tilespmem:$0xA800] =	vst v63  }
0xfe: {  	s14 =	sadd.s32 $0x4000, s10;
	s15 =	simm.s32 $0x8880  }
0xff: {  	[hbm4b:s14+s3] =	stream.linear.scatter [tilespmem:s15], [sflag:$0x3], $0x80, $0x38;
	[tilespmem:$0xA800] =	vst v63  }
0x100: {  	s14 =	sadd.s32 $0x4010, s10;
	s15 =	simm.s32 $0x8910  }
0x101: {  	[hbm4b:s14+s3] =	stream.linear.scatter [tilespmem:s15], [sflag:$0x3], $0x80, $0x38;
	[tilespmem:$0xA800] =	vst v63  }
0x102: {  	s14 =	sadd.s32 $0x4020, s10;
	s15 =	simm.s32 $0x89A0  }
0x103: {  	[hbm4b:s14+s3] =	stream.linear.scatter [tilespmem:s15], [sflag:$0x3], $0x80, $0x38;
	[tilespmem:$0xA800] =	vst v63  }
0x104: {  	s14 =	sadd.s32 $0x4030, s10;
	s15 =	simm.s32 $0x8A30  }
0x105: {  	[hbm4b:s14+s3] =	stream.linear.scatter [tilespmem:s15], [sflag:$0x3], $0x80, $0x38;
	[tilespmem:$0xA800] =	vst v63  }
0x106: {  	s14 =	sadd.s32 $0x4040, s10;
	s15 =	simm.s32 $0x8AC0  }
0x107: {  	[hbm4b:s14+s3] =	stream.linear.scatter [tilespmem:s15], [sflag:$0x3], $0x80, $0x38;
	[tilespmem:$0xA800] =	vst v63  }
0x108: {  	s14 =	sadd.s32 $0x4050, s10;
	s15 =	simm.s32 $0x8B50  }
0x109: {  	[hbm4b:s14+s3] =	stream.linear.scatter [tilespmem:s15], [sflag:$0x3], $0x80, $0x38;
	[tilespmem:$0xA800] =	vst v63  }
0x10a: {  	s14 =	sadd.s32 $0x4060, s10;
	s15 =	simm.s32 $0x8BE0  }
0x10b: {  	[hbm4b:s14+s3] =	stream.linear.scatter [tilespmem:s15], [sflag:$0x3], $0x80, $0x38;
	[tilespmem:$0xA800] =	vst v63  }
0x10c: {  	s14 =	sadd.s32 $0x4070, s10;
	s15 =	simm.s32 $0x8C70  }
0x10d: {  	[hbm4b:s14+s3] =	stream.linear.scatter [tilespmem:s15], [sflag:$0x3], $0x80, $0x38;
	[tilespmem:$0xA800] =	vst v63  }
0x10e: {  	s14 =	sadd.s32 $0x8000, s10;
	s15 =	simm.s32 $0x8D00  }
0x10f: {  	[hbm4b:s14+s3] =	stream.linear.scatter [tilespmem:s15], [sflag:$0x3], $0x80, $0x38;
	[tilespmem:$0xA800] =	vst v63  }
0x110: {  	s14 =	sadd.s32 $0x8010, s10;
	s15 =	simm.s32 $0x8D90  }
0x111: {  	[hbm4b:s14+s3] =	stream.linear.scatter [tilespmem:s15], [sflag:$0x3], $0x80, $0x38;
	[tilespmem:$0xA800] =	vst v63  }
0x112: {  	s14 =	sadd.s32 $0x8020, s10;
	s15 =	simm.s32 $0x8E20  }
0x113: {  	[hbm4b:s14+s3] =	stream.linear.scatter [tilespmem:s15], [sflag:$0x3], $0x80, $0x38;
	[tilespmem:$0xA800] =	vst v63  }
0x114: {  	s14 =	sadd.s32 $0x8030, s10;
	s15 =	simm.s32 $0x8EB0  }
0x115: {  	[hbm4b:s14+s3] =	stream.linear.scatter [tilespmem:s15], [sflag:$0x3], $0x80, $0x38;
	[tilespmem:$0xA800] =	vst v63  }
0x116: {  	s14 =	sadd.s32 $0x8040, s10;
	s15 =	simm.s32 $0x8F40  }
0x117: {  	[hbm4b:s14+s3] =	stream.linear.scatter [tilespmem:s15], [sflag:$0x3], $0x80, $0x38;
	[tilespmem:$0xA800] =	vst v63  }
0x118: {  	s14 =	sadd.s32 $0x8050, s10;
	s15 =	simm.s32 $0x8FD0  }
0x119: {  	[hbm4b:s14+s3] =	stream.linear.scatter [tilespmem:s15], [sflag:$0x3], $0x80, $0x38;
	[tilespmem:$0xA800] =	vst v63  }
0x11a: {  	s14 =	sadd.s32 $0x8060, s10;
	s15 =	simm.s32 $0x9060  }
0x11b: {  	[hbm4b:s14+s3] =	stream.linear.scatter [tilespmem:s15], [sflag:$0x3], $0x80, $0x38;
	[tilespmem:$0xA800] =	vst v63  }
0x11c: {  	s14 =	sadd.s32 $0x8070, s10;
	s15 =	simm.s32 $0x90F0  }
0x11d: {  	[hbm4b:s14+s3] =	stream.linear.scatter [tilespmem:s15], [sflag:$0x3], $0x80, $0x38;
	[tilespmem:$0xA800] =	vst v63  }
0x11e: {  	s14 =	sadd.s32 $0xC000, s10;
	s15 =	simm.s32 $0x9180  }
0x11f: {  	[hbm4b:s14+s3] =	stream.linear.scatter [tilespmem:s15], [sflag:$0x3], $0x80, $0x38;
	[tilespmem:$0xA800] =	vst v63  }
0x120: {  	s14 =	sadd.s32 $0xC010, s10;
	s15 =	simm.s32 $0x9210  }
0x121: {  	[hbm4b:s14+s3] =	stream.linear.scatter [tilespmem:s15], [sflag:$0x3], $0x80, $0x38;
	[tilespmem:$0xA800] =	vst v63  }
0x122: {  	s14 =	sadd.s32 $0xC020, s10;
	s15 =	simm.s32 $0x92A0  }
0x123: {  	[hbm4b:s14+s3] =	stream.linear.scatter [tilespmem:s15], [sflag:$0x3], $0x80, $0x38;
	[tilespmem:$0xA800] =	vst v63  }
0x124: {  	s14 =	sadd.s32 $0xC030, s10;
	s15 =	simm.s32 $0x9330  }
0x125: {  	[hbm4b:s14+s3] =	stream.linear.scatter [tilespmem:s15], [sflag:$0x3], $0x80, $0x38;
	[tilespmem:$0xA800] =	vst v63  }
0x126: {  	s14 =	sadd.s32 $0xC040, s10;
	s15 =	simm.s32 $0x93C0  }
0x127: {  	[hbm4b:s14+s3] =	stream.linear.scatter [tilespmem:s15], [sflag:$0x3], $0x80, $0x38;
	[tilespmem:$0xA800] =	vst v63  }
0x128: {  	p1 =	sne.s32 s7, $0x63;
	s14 =	sadd.s32 $0xC050, s10;
	s15 =	simm.s32 $0x9450  }
0x129: {  	[hbm4b:s14+s3] =	stream.linear.scatter [tilespmem:s15], [sflag:$0x3], $0x80, $0x38;
	[tilespmem:$0xA800] =	vst v63  }
.Ltmp3:
0x12a: {  	_ = 	snop;
	(pc) =	sbr.rel @p1 .LBB2_6-.Ltmp3, $4  }
0x12b: {  	s14 =	sadd.s32 $0xC060, s10;
	s15 =	simm.s32 $0x94E0  }
0x12c: {  	[hbm4b:s14+s3] =	stream.linear.scatter [tilespmem:s15], [sflag:$0x3], $0x80, $0x38;
	[tilespmem:$0xA800] =	vst v63  }
0x12d: {  	s10 =	sadd.s32 $0xC070, s10;
	s15 =	simm.s32 $0x9570  }
0x12e: {  	[hbm4b:s10+s3] =	stream.linear.scatter [tilespmem:s15], [sflag:$0x3], $0x80, $0x38;
	[tilespmem:$0xA800] =	vst v63  }
.Ltmp4:
0x12f: {  	(pc) =	sbr.rel .LBB2_7-.Ltmp4, $4  }
0x130: {  	_ = 	snop  }
0x131: {  	_ =	swait.ge [sflag:s21], $0x1000  }
0x132: {  	[sflag:s21] =	ssyncset.done $0x0  }
0x133: {  	[sflag:s21] =	ssyncadd.s32 $0xFFFFF000  }
.LBB2_6:
0x134: {  	s10 =	sshll.u32 s7, $0x8  }
0x135: {  	s10 =	sand.u32 $0x3FFFFF00, s10  }
.Ltmp5:
0x136: {  	s11 =	simm.s32 $0x6400;
	s10 =	sadd.s32 $0x100, s10;
	(pc) =	sbr.rel @p0 .LBB2_8-.Ltmp5, $4  }
0x137: {  	[tilespmem:s11], [sflag:$0x1] =	stream.indirect.gather [hbm4b:s4+s9], $0x20, s10, s9, $0xb8;
	[tilespmem:$0xA800] =	vst v63  }
0x138: {  	_ =	swait.ge [sflag:s21], $0x1000  }
0x139: {  	[sflag:s21] =	ssyncset.done $0x0  }
0x13a: {  	[sflag:s21] =	ssyncadd.s32 $0xFFFFF000  }
.LBB2_7:
0x13b: {  	_ =	swait.ge [sflag:s22], $0x1000  }
0x13c: {  	[sflag:s22] =	ssyncset.done $0x0  }
0x13d: {  	[sflag:s22] =	ssyncadd.s32 $0xFFFFF000  }
.LBB2_8:
0x13e: {  	s10 =	simm.s32 $0x0  }
0x13f: {  	v17 =	vmov s10  }
0x140: {  	v17 =	vshrl.u32 v17, $0x3  }
0x141: {  	v17 =	vshll.u32 v17, v1  }
0x142: {  	v17 =	vbroadcast v17, $0x0  }
0x143: {  	s10 =	simm.s32 $0x7480  }
0x144: {  	v18 =	vld [tilespmem:s10+$0xFFFFFF80];
	v19 =	vadd.s32 v0, v17;
	_ =	sdelay $0x4  }
0x145: {  	[tilespmem:v19+s23+$0x0] =	vst.idx.msk $0xffff, v18  }
0x146: {  	s11 =	simm.s32 $0x1;
	v17 =	vadd.s32 v2, v17;
	v18 =	vld [tilespmem:s10+$0xFFFFFF90]  }
0x147: {  	v19 =	vmov s11  }
0x148: {  	v19 =	vshrl.u32 v19, $0x3  }
0x149: {  	v19 =	vshll.u32 v19, v1  }
0x14a: {  	v19 =	vbroadcast v19, $0x0  }
0x14b: {  	[tilespmem:v17+s23+$0x0] =	vst.idx.msk $0xffff, v18  }
0x14c: {  	v18 =	vadd.s32 v3, v19;
	v17 =	vld [tilespmem:s10+$0xFFFFFFA0];
	_ =	sdelay $0x4  }
0x14d: {  	[tilespmem:v18+s23+$0x0] =	vst.idx.msk $0xffff, v17  }
0x14e: {  	s14 =	simm.s32 $0x2;
	v18 =	vadd.s32 v4, v19;
	v17 =	vld [tilespmem:s10+$0xFFFFFFB0]  }
0x14f: {  	v19 =	vmov s14  }
0x150: {  	v19 =	vshrl.u32 v19, $0x3  }
0x151: {  	v19 =	vshll.u32 v19, v1  }
0x152: {  	v19 =	vbroadcast v19, $0x0  }
0x153: {  	[tilespmem:v18+s23+$0x0] =	vst.idx.msk $0xffff, v17  }
0x154: {  	v18 =	vadd.s32 v5, v19;
	v17 =	vld [tilespmem:s10+$0xFFFFFFC0];
	_ =	sdelay $0x4  }
0x155: {  	[tilespmem:v18+s23+$0x0] =	vst.idx.msk $0xffff, v17  }
0x156: {  	s15 =	simm.s32 $0x3;
	v18 =	vadd.s32 v6, v19;
	v17 =	vld [tilespmem:s10+$0xFFFFFFD0]  }
0x157: {  	v19 =	vmov s15  }
0x158: {  	v19 =	vshrl.u32 v19, $0x3  }
0x159: {  	v19 =	vshll.u32 v19, v1  }
0x15a: {  	v19 =	vbroadcast v19, $0x0  }
0x15b: {  	[tilespmem:v18+s23+$0x0] =	vst.idx.msk $0xffff, v17  }
0x15c: {  	v18 =	vadd.s32 v7, v19;
	v17 =	vld [tilespmem:s10+$0xFFFFFFE0];
	_ =	sdelay $0x4  }
0x15d: {  	[tilespmem:v18+s23+$0x0] =	vst.idx.msk $0xffff, v17  }
0x15e: {  	s14 =	simm.s32 $0x4;
	v18 =	vadd.s32 v8, v19;
	v17 =	vld [tilespmem:s10+$0xFFFFFFF0]  }
0x15f: {  	v19 =	vmov s14  }
0x160: {  	v19 =	vshrl.u32 v19, $0x3  }
0x161: {  	v19 =	vshll.u32 v19, v1  }
0x162: {  	v19 =	vbroadcast v19, $0x0  }
0x163: {  	[tilespmem:v18+s23+$0x0] =	vst.idx.msk $0xffff, v17  }
0x164: {  	v18 =	vadd.s32 v9, v19;
	v17 =	vld [tilespmem:s10+$0x0];
	_ =	sdelay $0x4  }
0x165: {  	[tilespmem:v18+s23+$0x0] =	vst.idx.msk $0xffff, v17  }
0x166: {  	s15 =	simm.s32 $0x5;
	v18 =	vadd.s32 v10, v19;
	v17 =	vld [tilespmem:s10+$0x10]  }
0x167: {  	v19 =	vmov s15  }
0x168: {  	v19 =	vshrl.u32 v19, $0x3  }
0x169: {  	v19 =	vshll.u32 v19, v1  }
0x16a: {  	v19 =	vbroadcast v19, $0x0  }
0x16b: {  	[tilespmem:v18+s23+$0x0] =	vst.idx.msk $0xffff, v17  }
0x16c: {  	v18 =	vadd.s32 v11, v19;
	v17 =	vld [tilespmem:s10+$0x20];
	_ =	sdelay $0x4  }
0x16d: {  	[tilespmem:v18+s23+$0x0] =	vst.idx.msk $0xffff, v17  }
0x16e: {  	s14 =	simm.s32 $0x6;
	v18 =	vadd.s32 v12, v19;
	v17 =	vld [tilespmem:s10+$0x30]  }
0x16f: {  	v19 =	vmov s14  }
0x170: {  	v19 =	vshrl.u32 v19, $0x3  }
0x171: {  	v19 =	vshll.u32 v19, v1  }
0x172: {  	v19 =	vbroadcast v19, $0x0  }
0x173: {  	[tilespmem:v18+s23+$0x0] =	vst.idx.msk $0xffff, v17  }
0x174: {  	v18 =	vadd.s32 v13, v19;
	v17 =	vld [tilespmem:s10+$0x40];
	_ =	sdelay $0x4  }
0x175: {  	[tilespmem:v18+s23+$0x0] =	vst.idx.msk $0xffff, v17  }
0x176: {  	s15 =	simm.s32 $0x7;
	v18 =	vadd.s32 v14, v19;
	v17 =	vld [tilespmem:s10+$0x50]  }
0x177: {  	v19 =	vmov s15  }
0x178: {  	v19 =	vshrl.u32 v19, $0x3  }
0x179: {  	v19 =	vshll.u32 v19, v1  }
0x17a: {  	v19 =	vbroadcast v19, $0x0  }
0x17b: {  	[tilespmem:v18+s23+$0x0] =	vst.idx.msk $0xffff, v17  }
0x17c: {  	v18 =	vadd.s32 v15, v19;
	v17 =	vld [tilespmem:s10+$0x60];
	_ =	sdelay $0x4  }
0x17d: {  	[tilespmem:v18+s23+$0x0] =	vst.idx.msk $0xffff, v17  }
0x17e: {  	s11 =	simm.s32 $0xF;
	s14 =	simm.s32 $0x17;
	s15 =	simm.s32 $0x8;
	v18 =	vadd.s32 v16, v19;
	v17 =	vld [tilespmem:s10+$0x70]  }
.LBB2_9:
0x17f: {  	p0 =	sne.s32 s14, $0x7F;
	v19 =	vmov s15  }
0x180: {  	v19 =	vshrl.u32 v19, $0x3  }
0x181: {  	v19 =	vshll.u32 v19, v1  }
0x182: {  	v19 =	vbroadcast v19, $0x0  }
0x183: {  	s10 =	sadd.s32 $0x100, s10;
	[tilespmem:v18+s23+$0x0] =	vst.idx.msk $0xffff, v17  }
0x184: {  	v17 =	vld [tilespmem:s10+$0xFFFFFF80];
	v18 =	vadd.s32 v0, v19;
	_ =	sdelay $0x4  }
0x185: {  	[tilespmem:v18+s23+$0x0] =	vst.idx.msk $0xffff, v17  }
0x186: {  	s15 =	sadd.s32 $0xFFFFFFFA, s11;
	v18 =	vadd.s32 v2, v19;
	v17 =	vld [tilespmem:s10+$0xFFFFFF90]  }
0x187: {  	v19 =	vmov s15  }
0x188: {  	v19 =	vshrl.u32 v19, $0x3  }
0x189: {  	v19 =	vshll.u32 v19, v1  }
0x18a: {  	v19 =	vbroadcast v19, $0x0  }
0x18b: {  	[tilespmem:v18+s23+$0x0] =	vst.idx.msk $0xffff, v17  }
0x18c: {  	v18 =	vadd.s32 v3, v19;
	v17 =	vld [tilespmem:s10+$0xFFFFFFA0];
	_ =	sdelay $0x4  }
0x18d: {  	[tilespmem:v18+s23+$0x0] =	vst.idx.msk $0xffff, v17  }
0x18e: {  	s15 =	sadd.s32 $0xFFFFFFFB, s11;
	v18 =	vadd.s32 v4, v19;
	v17 =	vld [tilespmem:s10+$0xFFFFFFB0]  }
0x18f: {  	v19 =	vmov s15  }
0x190: {  	v19 =	vshrl.u32 v19, $0x3  }
0x191: {  	v19 =	vshll.u32 v19, v1  }
0x192: {  	v19 =	vbroadcast v19, $0x0  }
0x193: {  	[tilespmem:v18+s23+$0x0] =	vst.idx.msk $0xffff, v17  }
0x194: {  	v18 =	vadd.s32 v5, v19;
	v17 =	vld [tilespmem:s10+$0xFFFFFFC0];
	_ =	sdelay $0x4  }
0x195: {  	[tilespmem:v18+s23+$0x0] =	vst.idx.msk $0xffff, v17  }
0x196: {  	s15 =	sadd.s32 $0xFFFFFFFC, s11;
	v18 =	vadd.s32 v6, v19;
	v17 =	vld [tilespmem:s10+$0xFFFFFFD0]  }
0x197: {  	v19 =	vmov s15  }
0x198: {  	v19 =	vshrl.u32 v19, $0x3  }
0x199: {  	v19 =	vshll.u32 v19, v1  }
0x19a: {  	v19 =	vbroadcast v19, $0x0  }
0x19b: {  	[tilespmem:v18+s23+$0x0] =	vst.idx.msk $0xffff, v17  }
0x19c: {  	v18 =	vadd.s32 v7, v19;
	v17 =	vld [tilespmem:s10+$0xFFFFFFE0];
	_ =	sdelay $0x4  }
0x19d: {  	[tilespmem:v18+s23+$0x0] =	vst.idx.msk $0xffff, v17  }
0x19e: {  	s15 =	sadd.s32 $0xFFFFFFFD, s11;
	v18 =	vadd.s32 v8, v19;
	v17 =	vld [tilespmem:s10+$0xFFFFFFF0]  }
0x19f: {  	v19 =	vmov s15  }
0x1a0: {  	v19 =	vshrl.u32 v19, $0x3  }
0x1a1: {  	v19 =	vshll.u32 v19, v1  }
0x1a2: {  	v19 =	vbroadcast v19, $0x0  }
0x1a3: {  	[tilespmem:v18+s23+$0x0] =	vst.idx.msk $0xffff, v17  }
0x1a4: {  	v18 =	vadd.s32 v9, v19;
	v17 =	vld [tilespmem:s10+$0x0];
	_ =	sdelay $0x4  }
0x1a5: {  	[tilespmem:v18+s23+$0x0] =	vst.idx.msk $0xffff, v17  }
0x1a6: {  	s15 =	sadd.s32 $0xFFFFFFFE, s11;
	v18 =	vadd.s32 v10, v19;
	v17 =	vld [tilespmem:s10+$0x10]  }
0x1a7: {  	v19 =	vmov s15  }
0x1a8: {  	v19 =	vshrl.u32 v19, $0x3  }
0x1a9: {  	v19 =	vshll.u32 v19, v1  }
0x1aa: {  	v19 =	vbroadcast v19, $0x0  }
0x1ab: {  	[tilespmem:v18+s23+$0x0] =	vst.idx.msk $0xffff, v17  }
0x1ac: {  	v18 =	vadd.s32 v11, v19;
	v17 =	vld [tilespmem:s10+$0x20];
	_ =	sdelay $0x4  }
0x1ad: {  	[tilespmem:v18+s23+$0x0] =	vst.idx.msk $0xffff, v17  }
0x1ae: {  	s15 =	sadd.s32 $0xFFFFFFFF, s11;
	v18 =	vadd.s32 v12, v19;
	v17 =	vld [tilespmem:s10+$0x30]  }
0x1af: {  	v19 =	vmov s15  }
0x1b0: {  	v19 =	vshrl.u32 v19, $0x3  }
0x1b1: {  	v19 =	vshll.u32 v19, v1  }
0x1b2: {  	v19 =	vbroadcast v19, $0x0  }
0x1b3: {  	[tilespmem:v18+s23+$0x0] =	vst.idx.msk $0xffff, v17  }
0x1b4: {  	v18 =	vadd.s32 v13, v19;
	v17 =	vld [tilespmem:s10+$0x40];
	_ =	sdelay $0x4  }
0x1b5: {  	[tilespmem:v18+s23+$0x0] =	vst.idx.msk $0xffff, v17  }
0x1b6: {  	v18 =	vadd.s32 v14, v19;
	v17 =	vld [tilespmem:s10+$0x50]  }
0x1b7: {  	v19 =	vmov s11;
	s11 =	smov.u32 s14  }
0x1b8: {  	v19 =	vshrl.u32 v19, $0x3  }
0x1b9: {  	v19 =	vshll.u32 v19, v1  }
0x1ba: {  	v19 =	vbroadcast v19, $0x0  }
0x1bb: {  	[tilespmem:v18+s23+$0x0] =	vst.idx.msk $0xffff, v17  }
0x1bc: {  	v18 =	vadd.s32 v15, v19;
	v17 =	vld [tilespmem:s10+$0x60];
	_ =	sdelay $0x1  }
.Ltmp6:
0x1bd: {  	(pc) =	sbr.rel @p0 .LBB2_9-.Ltmp6, $3  }
0x1be: {  	_ =	sdelay $0x1  }
0x1bf: {  	[tilespmem:v18+s23+$0x0] =	vst.idx.msk $0xffff, v17  }
0x1c0: {  	s14 =	sadd.s32 $0x8, s14;
	s15 =	sadd.s32 $0xFFFFFFF9, s11;
	v18 =	vadd.s32 v16, v19;
	v17 =	vld [tilespmem:s10+$0x70]  }
0x1c1: {  	v19 =	vmov s15  }
0x1c2: {  	v19 =	vshrl.u32 v19, $0x3  }
0x1c3: {  	v19 =	vshll.u32 v19, v1  }
0x1c4: {  	v19 =	vbroadcast v19, $0x0  }
0x1c5: {  	s10 =	sadd.s32 $0x100, s10;
	[tilespmem:v18+s23+$0x0] =	vst.idx.msk $0xffff, v17  }
0x1c6: {  	v17 =	vld [tilespmem:s10+$0xFFFFFF80];
	v18 =	vadd.s32 v0, v19;
	_ =	sdelay $0x4  }
0x1c7: {  	[tilespmem:v18+s23+$0x0] =	vst.idx.msk $0xffff, v17  }
0x1c8: {  	s14 =	sadd.s32 $0xFFFFFFFA, s11;
	v18 =	vadd.s32 v2, v19;
	v17 =	vld [tilespmem:s10+$0xFFFFFF90]  }
0x1c9: {  	v19 =	vmov s14  }
0x1ca: {  	v19 =	vshrl.u32 v19, $0x3  }
0x1cb: {  	v19 =	vshll.u32 v19, v1  }
0x1cc: {  	v19 =	vbroadcast v19, $0x0  }
0x1cd: {  	[tilespmem:v18+s23+$0x0] =	vst.idx.msk $0xffff, v17  }
0x1ce: {  	v18 =	vadd.s32 v3, v19;
	v17 =	vld [tilespmem:s10+$0xFFFFFFA0];
	_ =	sdelay $0x4  }
0x1cf: {  	[tilespmem:v18+s23+$0x0] =	vst.idx.msk $0xffff, v17  }
0x1d0: {  	s15 =	sadd.s32 $0xFFFFFFFB, s11;
	v18 =	vadd.s32 v4, v19;
	v17 =	vld [tilespmem:s10+$0xFFFFFFB0]  }
0x1d1: {  	v19 =	vmov s15  }
0x1d2: {  	v19 =	vshrl.u32 v19, $0x3  }
0x1d3: {  	v19 =	vshll.u32 v19, v1  }
0x1d4: {  	v19 =	vbroadcast v19, $0x0  }
0x1d5: {  	[tilespmem:v18+s23+$0x0] =	vst.idx.msk $0xffff, v17  }
0x1d6: {  	v18 =	vadd.s32 v5, v19;
	v17 =	vld [tilespmem:s10+$0xFFFFFFC0];
	_ =	sdelay $0x4  }
0x1d7: {  	[tilespmem:v18+s23+$0x0] =	vst.idx.msk $0xffff, v17  }
0x1d8: {  	s15 =	sadd.s32 $0xFFFFFFFC, s11;
	v18 =	vadd.s32 v6, v19;
	v17 =	vld [tilespmem:s10+$0xFFFFFFD0]  }
0x1d9: {  	v19 =	vmov s15  }
0x1da: {  	v19 =	vshrl.u32 v19, $0x3  }
0x1db: {  	v19 =	vshll.u32 v19, v1  }
0x1dc: {  	v19 =	vbroadcast v19, $0x0  }
0x1dd: {  	[tilespmem:v18+s23+$0x0] =	vst.idx.msk $0xffff, v17  }
0x1de: {  	v18 =	vadd.s32 v7, v19;
	v17 =	vld [tilespmem:s10+$0xFFFFFFE0];
	_ =	sdelay $0x4  }
0x1df: {  	[tilespmem:v18+s23+$0x0] =	vst.idx.msk $0xffff, v17  }
0x1e0: {  	s15 =	sadd.s32 $0xFFFFFFFD, s11;
	v18 =	vadd.s32 v8, v19;
	v17 =	vld [tilespmem:s10+$0xFFFFFFF0]  }
0x1e1: {  	v19 =	vmov s15  }
0x1e2: {  	v19 =	vshrl.u32 v19, $0x3  }
0x1e3: {  	v19 =	vshll.u32 v19, v1  }
0x1e4: {  	v19 =	vbroadcast v19, $0x0  }
0x1e5: {  	[tilespmem:v18+s23+$0x0] =	vst.idx.msk $0xffff, v17  }
0x1e6: {  	v18 =	vadd.s32 v9, v19;
	v17 =	vld [tilespmem:s10+$0x0];
	_ =	sdelay $0x4  }
0x1e7: {  	[tilespmem:v18+s23+$0x0] =	vst.idx.msk $0xffff, v17  }
0x1e8: {  	s15 =	sadd.s32 $0xFFFFFFFE, s11;
	v18 =	vadd.s32 v10, v19;
	v17 =	vld [tilespmem:s10+$0x10]  }
0x1e9: {  	v19 =	vmov s15  }
0x1ea: {  	v19 =	vshrl.u32 v19, $0x3  }
0x1eb: {  	v19 =	vshll.u32 v19, v1  }
0x1ec: {  	v19 =	vbroadcast v19, $0x0  }
0x1ed: {  	[tilespmem:v18+s23+$0x0] =	vst.idx.msk $0xffff, v17  }
0x1ee: {  	v18 =	vadd.s32 v11, v19;
	v17 =	vld [tilespmem:s10+$0x20];
	_ =	sdelay $0x4  }
0x1ef: {  	[tilespmem:v18+s23+$0x0] =	vst.idx.msk $0xffff, v17  }
0x1f0: {  	s15 =	sadd.s32 $0xFFFFFFFF, s11;
	v18 =	vadd.s32 v12, v19;
	v17 =	vld [tilespmem:s10+$0x30]  }
0x1f1: {  	v19 =	vmov s15  }
0x1f2: {  	v19 =	vshrl.u32 v19, $0x3  }
0x1f3: {  	v19 =	vshll.u32 v19, v1  }
0x1f4: {  	v19 =	vbroadcast v19, $0x0  }
0x1f5: {  	[tilespmem:v18+s23+$0x0] =	vst.idx.msk $0xffff, v17  }
0x1f6: {  	v18 =	vadd.s32 v13, v19;
	v17 =	vld [tilespmem:s10+$0x40];
	_ =	sdelay $0x4  }
0x1f7: {  	[tilespmem:v18+s23+$0x0] =	vst.idx.msk $0xffff, v17  }
0x1f8: {  	v18 =	vadd.s32 v14, v19;
	v17 =	vld [tilespmem:s10+$0x50]  }
0x1f9: {  	v19 =	vmov s11  }
0x1fa: {  	v19 =	vshrl.u32 v19, $0x3  }
0x1fb: {  	v19 =	vshll.u32 v19, v1  }
0x1fc: {  	v19 =	vbroadcast v19, $0x0  }
0x1fd: {  	[tilespmem:v18+s23+$0x0] =	vst.idx.msk $0xffff, v17  }
0x1fe: {  	v18 =	vadd.s32 v15, v19;
	v17 =	vld [tilespmem:s10+$0x60];
	_ =	sdelay $0x4  }
0x1ff: {  	[tilespmem:v18+s23+$0x0] =	vst.idx.msk $0xffff, v17  }
0x200: {  	s8 =	sadd.s32 s8, s5;
	v18 =	vadd.s32 v16, v19;
	v17 =	vld [tilespmem:s10+$0x70]  }
0x201: {  	s8 =	sadd.s32 $0x1, s8  }
0x202: {  	s14 =	sshll.u32 s8, $0x7  }
0x203: {  	s8 =	sshll.u32 s8, $0x9;
	s10 =	sand.u32 $0x3F80, s14  }
0x204: {  	s8 =	sand.u32 $0xFFF0000, s8;
	s10 =	sadd.s32 s2, s10  }
0x205: {  	s8 =	sadd.s32 s8, s10;
	[tilespmem:v18+s23+$0x0] =	vst.idx.msk $0xffff, v17  }
0x206: {  	[hbm4b:s8+s3] =	stream.linear.scatter [tilespmem:s23], [sflag:$0x4], $0x80, $0x38;
	[tilespmem:$0xA800] =	vst v63  }
0x207: {  	s15 =	simm.s32 $0x9690;
	s10 =	sadd.s32 $0x10, s8  }
0x208: {  	[hbm4b:s10+s3] =	stream.linear.scatter [tilespmem:s15], [sflag:$0x4], $0x80, $0x38;
	[tilespmem:$0xA800] =	vst v63  }
0x209: {  	s14 =	sadd.s32 $0x20, s8;
	s15 =	simm.s32 $0x9720  }
0x20a: {  	[hbm4b:s14+s3] =	stream.linear.scatter [tilespmem:s15], [sflag:$0x4], $0x80, $0x38;
	[tilespmem:$0xA800] =	vst v63  }
0x20b: {  	s14 =	sadd.s32 $0x30, s8;
	s15 =	simm.s32 $0x97B0  }
0x20c: {  	[hbm4b:s14+s3] =	stream.linear.scatter [tilespmem:s15], [sflag:$0x4], $0x80, $0x38;
	[tilespmem:$0xA800] =	vst v63  }
0x20d: {  	s14 =	sadd.s32 $0x40, s8;
	s15 =	simm.s32 $0x9840  }
0x20e: {  	[hbm4b:s14+s3] =	stream.linear.scatter [tilespmem:s15], [sflag:$0x4], $0x80, $0x38;
	[tilespmem:$0xA800] =	vst v63  }
0x20f: {  	s14 =	sadd.s32 $0x50, s8;
	s15 =	simm.s32 $0x98D0  }
0x210: {  	[hbm4b:s14+s3] =	stream.linear.scatter [tilespmem:s15], [sflag:$0x4], $0x80, $0x38;
	[tilespmem:$0xA800] =	vst v63  }
0x211: {  	s14 =	sadd.s32 $0x60, s8;
	s15 =	simm.s32 $0x9960  }
0x212: {  	[hbm4b:s14+s3] =	stream.linear.scatter [tilespmem:s15], [sflag:$0x4], $0x80, $0x38;
	[tilespmem:$0xA800] =	vst v63  }
0x213: {  	s14 =	sadd.s32 $0x70, s8;
	s15 =	simm.s32 $0x99F0  }
0x214: {  	[hbm4b:s14+s3] =	stream.linear.scatter [tilespmem:s15], [sflag:$0x4], $0x80, $0x38;
	[tilespmem:$0xA800] =	vst v63  }
0x215: {  	s14 =	sadd.s32 $0x4000, s8;
	s15 =	simm.s32 $0x9A80  }
0x216: {  	[hbm4b:s14+s3] =	stream.linear.scatter [tilespmem:s15], [sflag:$0x4], $0x80, $0x38;
	[tilespmem:$0xA800] =	vst v63  }
0x217: {  	s14 =	sadd.s32 $0x4010, s8;
	s15 =	simm.s32 $0x9B10  }
0x218: {  	[hbm4b:s14+s3] =	stream.linear.scatter [tilespmem:s15], [sflag:$0x4], $0x80, $0x38;
	[tilespmem:$0xA800] =	vst v63  }
0x219: {  	s14 =	sadd.s32 $0x4020, s8;
	s15 =	simm.s32 $0x9BA0  }
0x21a: {  	[hbm4b:s14+s3] =	stream.linear.scatter [tilespmem:s15], [sflag:$0x4], $0x80, $0x38;
	[tilespmem:$0xA800] =	vst v63  }
0x21b: {  	s14 =	sadd.s32 $0x4030, s8;
	s15 =	simm.s32 $0x9C30  }
0x21c: {  	[hbm4b:s14+s3] =	stream.linear.scatter [tilespmem:s15], [sflag:$0x4], $0x80, $0x38;
	[tilespmem:$0xA800] =	vst v63  }
0x21d: {  	s14 =	sadd.s32 $0x4040, s8;
	s15 =	simm.s32 $0x9CC0  }
0x21e: {  	[hbm4b:s14+s3] =	stream.linear.scatter [tilespmem:s15], [sflag:$0x4], $0x80, $0x38;
	[tilespmem:$0xA800] =	vst v63  }
0x21f: {  	s14 =	sadd.s32 $0x4050, s8;
	s15 =	simm.s32 $0x9D50  }
0x220: {  	[hbm4b:s14+s3] =	stream.linear.scatter [tilespmem:s15], [sflag:$0x4], $0x80, $0x38;
	[tilespmem:$0xA800] =	vst v63  }
0x221: {  	s14 =	sadd.s32 $0x4060, s8;
	s15 =	simm.s32 $0x9DE0  }
0x222: {  	[hbm4b:s14+s3] =	stream.linear.scatter [tilespmem:s15], [sflag:$0x4], $0x80, $0x38;
	[tilespmem:$0xA800] =	vst v63  }
0x223: {  	s14 =	sadd.s32 $0x4070, s8;
	s15 =	simm.s32 $0x9E70  }
0x224: {  	[hbm4b:s14+s3] =	stream.linear.scatter [tilespmem:s15], [sflag:$0x4], $0x80, $0x38;
	[tilespmem:$0xA800] =	vst v63  }
0x225: {  	s14 =	sadd.s32 $0x8000, s8;
	s15 =	simm.s32 $0x9F00  }
0x226: {  	[hbm4b:s14+s3] =	stream.linear.scatter [tilespmem:s15], [sflag:$0x4], $0x80, $0x38;
	[tilespmem:$0xA800] =	vst v63  }
0x227: {  	s14 =	sadd.s32 $0x8010, s8  }
0x228: {  	[hbm4b:s14+s3] =	stream.linear.scatter [tilespmem:s16], [sflag:$0x4], $0x80, $0x38;
	[tilespmem:$0xA800] =	vst v63  }
0x229: {  	s15 =	sadd.s32 $0x8020, s8  }
0x22a: {  	[hbm4b:s15+s3] =	stream.linear.scatter [tilespmem:s17], [sflag:$0x4], $0x80, $0x38;
	[tilespmem:$0xA800] =	vst v63  }
0x22b: {  	s11 =	sadd.s32 $0x8030, s8  }
0x22c: {  	[hbm4b:s11+s3] =	stream.linear.scatter [tilespmem:s18], [sflag:$0x4], $0x80, $0x38;
	[tilespmem:$0xA800] =	vst v63  }
0x22d: {  	s14 =	sadd.s32 $0x8040, s8  }
0x22e: {  	[hbm4b:s14+s3] =	stream.linear.scatter [tilespmem:s19], [sflag:$0x4], $0x80, $0x38;
	[tilespmem:$0xA800] =	vst v63  }
0x22f: {  	s15 =	sadd.s32 $0x8050, s8  }
0x230: {  	[hbm4b:s15+s3] =	stream.linear.scatter [tilespmem:s20], [sflag:$0x4], $0x80, $0x38;
	[tilespmem:$0xA800] =	vst v63  }
0x231: {  	s11 =	sadd.s32 $0x8060, s8  }
0x232: {  	[hbm4b:s11+s3] =	stream.linear.scatter [tilespmem:s24], [sflag:$0x4], $0x80, $0x38;
	[tilespmem:$0xA800] =	vst v63  }
0x233: {  	s14 =	sadd.s32 $0x8070, s8  }
0x234: {  	[hbm4b:s14+s3] =	stream.linear.scatter [tilespmem:s25], [sflag:$0x4], $0x80, $0x38;
	[tilespmem:$0xA800] =	vst v63  }
0x235: {  	s15 =	sadd.s32 $0xC000, s8  }
0x236: {  	[hbm4b:s15+s3] =	stream.linear.scatter [tilespmem:s26], [sflag:$0x4], $0x80, $0x38;
	[tilespmem:$0xA800] =	vst v63  }
0x237: {  	s11 =	sadd.s32 $0xC010, s8  }
0x238: {  	[hbm4b:s11+s3] =	stream.linear.scatter [tilespmem:s28], [sflag:$0x4], $0x80, $0x38;
	[tilespmem:$0xA800] =	vst v63  }
0x239: {  	s14 =	sadd.s32 $0xC020, s8  }
0x23a: {  	[hbm4b:s14+s3] =	stream.linear.scatter [tilespmem:s29], [sflag:$0x4], $0x80, $0x38;
	[tilespmem:$0xA800] =	vst v63  }
0x23b: {  	s15 =	sadd.s32 $0xC030, s8  }
0x23c: {  	[hbm4b:s15+s3] =	stream.linear.scatter [tilespmem:s30], [sflag:$0x4], $0x80, $0x38;
	[tilespmem:$0xA800] =	vst v63  }
0x23d: {  	s11 =	sadd.s32 $0xC040, s8  }
0x23e: {  	[hbm4b:s11+s3] =	stream.linear.scatter [tilespmem:s31], [sflag:$0x4], $0x80, $0x38;
	[tilespmem:$0xA800] =	vst v63  }
0x23f: {  	p0 =	seq.s32 s7, $0x63;
	s14 =	sadd.s32 $0xC050, s8  }
0x240: {  	[hbm4b:s14+s3] =	stream.linear.scatter [tilespmem:s0], [sflag:$0x4], $0x80, $0x38;
	[tilespmem:$0xA800] =	vst v63  }
.Ltmp7:
0x241: {  	_ = 	snop;
	(pc) =	sbr.rel @p0 .LBB2_12-.Ltmp7, $4  }
0x242: {  	s15 =	sadd.s32 $0xC060, s8  }
0x243: {  	[hbm4b:s15+s3] =	stream.linear.scatter [tilespmem:s1], [sflag:$0x4], $0x80, $0x38;
	[tilespmem:$0xA800] =	vst v63  }
0x244: {  	s8 =	sadd.s32 $0xC070, s8  }
0x245: {  	[hbm4b:s8+s3] =	stream.linear.scatter [tilespmem:s6], [sflag:$0x4], $0x80, $0x38;
	[tilespmem:$0xA800] =	vst v63  }
.Ltmp8:
0x246: {  	(pc) =	sbr.rel .LBB2_2-.Ltmp8, $4  }
0x247: {  	s8 =	sshll.u32 s7, $0x8  }
0x248: {  	s8 =	sand.u32 $0x3FFFFF00, s8  }
0x249: {  	s10 =	simm.s32 $0x7400;
	s7 =	sadd.s32 $0x1, s7;
	s8 =	sadd.s32 $0x180, s8  }
0x24a: {  	[tilespmem:s10], [sflag:$0x2] =	stream.indirect.gather [hbm4b:s4+s9], $0x20, s8, s9, $0xb8;
	[tilespmem:$0xA800] =	vst v63  }
.LBB2_13:
0x24b: {  	_ =	sfence.sel $0x180000  }
0x24c: {  	[bflag:$0x0] =	sbarrier.arrive $0xFFFF  }
0x24d: {  	_ =	strace $0x90000047  }
0x24e: {  	s0 =	stileid.u32;
	[bflag:$0x2] =	sbarrier.arrive $0xFFFF  }
0x24f: {  	p0 =	sne.s32 s0, $0x0;
	s0 =	rddreg [dreg:$0x3]  }
0x250: {  	s0 =	sadd.s32 @!p0 $0x100000, s0  }
0x251: {  	[sflag:s0] =	ssyncadd.tile.s32 @!p0 $0x1;
	_ =	shalt  }
.Lfunc_end2:
_tile_overlayer_lowered:
.L_overlay_start_2:
0x252: {  	(tag) =	ssettag $0x2  }
0x253: {  	s0 =	rddreg [dreg:$0x0];
	s2 =	stileid.u32  }
0x254: {  	s1 =	rddreg [dreg:$0x1];
	p0 =	sne.s32 s2, $0x0  }
0x255: {  	s3 =	rddreg [dreg:$0x2];
	[bflag:$0x3] =	sbarrier.arrive $0xFFFF;
	s2 =	simm.s32 @!p0 $0x1C05  }
0x256: {  	[timem:s3], [sflag:s2] =	dma.local @!p0 [hbm:s0], s1  }
0x257: {  	s0 =	simm.s32 @!p0 $0x5  }
0x258: {  	_ =	swait.ge @!p0 [sflag:s0], s1  }
0x259: {  	s1 =	ssub.s32 @!p0 $0x0, s1;
	[sflag:s0] =	ssyncset.done @!p0 $0x0  }
0x25a: {  	[sflag:s0] =	ssyncadd.s32 @!p0 s1  }
0x25b: {  	[bflag:$0x3] =	sbarrier.arrive $0xFFFF  }
0x25c: {  	_ =	shalt  }

</sc_bundles>
